<compile_context>
chip_gen: v7x
topology: tpu7x:2x2x1
jax: 0.10.2.dev20260603
libtpu: 0.0.44.dev20260713+nightly
codegen_flags: <defaults>
</compile_context>

<pallas_src>
import functools

import jax
import jax.numpy as jnp
from jax import lax
from jax.experimental import pallas as pl
from jax.experimental.pallas import tpu as pltpu
from jax.experimental.pallas import tpu_sc as plsc

BATCH = 16384
EMB = 16
NID = 100000
NROW = 100096
NTILE = NROW // 128
TRSTRIDE = NTILE * 8 * 128
FLAT = 2 * TRSTRIDE
NC = 2
NS = 16
L = 16
NW = NC * NS
BPW = BATCH // NW
NBLK = BPW // L
EPB = L * EMB
CHUNK = 128

KOFF = [(k // 8) * TRSTRIDE + (k % 8) * 128 for k in range(EMB)]


SHARE = TRSTRIDE // NS
HC = EPB // 2


def _body(x_hbm, itab_hbm, atab_hbm, wb_hbm, out_hbm,
          xv, iix, aax, di, da, wv, outv, sh, semA, semB, semS):
    sid = lax.axis_index("s")
    wid = sid * NC + lax.axis_index("c")
    base = wid * BPW

    stage = pltpu.async_copy(atab_hbm.at[pl.ds(sid * SHARE, SHARE)],
                             sh.at[pl.ds(sid * SHARE, SHARE)], semS)

    pltpu.sync_copy(x_hbm.at[pl.ds(base * 2, BPW * 2)], xv)
    pltpu.sync_copy(wb_hbm, wv)

    def gen(bi, carry):
        off = bi * EPB
        xoff = (bi >> 3) * 256 + (bi & 7) * L
        r = xv[pl.ds(xoff, L)]
        b0 = ((r >> 7) << 10) + (r & 127)
        for k in range(EMB):
            iix[pl.ds(off + k * L, L)] = b0 + KOFF[k]
        for c in range(EPB // CHUNK):
            pltpu.async_copy(
                itab_hbm.at[iix.at[pl.ds(off + c * CHUNK, CHUNK)]],
                di.at[pl.ds(off + c * CHUNK, CHUNK)], semA)
        r2 = xv[pl.ds(xoff + CHUNK, L)]
        b2 = ((r2 >> 7) << 10) + (r2 & 127)
        for k in range(EMB):
            aax[pl.ds(off + k * L, L)] = b2 + KOFF[k]
        pltpu.async_copy(
            atab_hbm.at[aax.at[pl.ds(off + HC, HC)]],
            da.at[pl.ds(off + HC, HC)], semB)
        return carry

    lax.fori_loop(0, NBLK, gen, 0)

    stage.wait()
    plsc.subcore_barrier()

    def fire_a(bi, carry):
        off = bi * EPB
        pltpu.async_copy(
            sh.at[aax.at[pl.ds(off, HC)]],
            da.at[pl.ds(off, HC)], semS)
        return carry

    lax.fori_loop(0, NBLK, fire_a, 0)

    wvec = wv[pl.ds(0, L)]
    bvec = wv[pl.ds(L, L)]
    ws = [wvec[k] for k in range(EMB)]
    b_s = bvec[0]

    def blk(bi, carry):
        off = bi * EPB
        acc = jnp.full((L,), b_s, jnp.float32)
        for k in range(EMB):
            iv = di[pl.ds(off + k * L, L)]
            av = da[pl.ds(off + k * L, L)]
            acc = acc + iv * av * ws[k]
        outv[pl.ds(bi * L, L)] = 1.0 / (1.0 + jnp.exp(-acc))
        return carry

    pltpu.make_async_copy(itab_hbm.at[pl.ds(0, NBLK * EPB)], di, semA).wait()
    pltpu.make_async_copy(atab_hbm.at[pl.ds(0, NBLK * HC)],
                          da.at[pl.ds(0, NBLK * HC)], semB).wait()
    pltpu.make_async_copy(atab_hbm.at[pl.ds(0, NBLK * HC)],
                          da.at[pl.ds(0, NBLK * HC)], semS).wait()
    lax.fori_loop(0, NBLK, blk, 0)
    pltpu.sync_copy(outv, out_hbm.at[pl.ds(base, BPW)])


@functools.partial(
    pl.kernel,
    out_type=jax.ShapeDtypeStruct((BATCH,), jnp.float32),
    mesh=plsc.VectorSubcoreMesh(core_axis_name="c", subcore_axis_name="s"),
    scratch_types=[
        pltpu.VMEM((BPW * 2,), jnp.int32),
        pltpu.VMEM((BPW * EMB,), jnp.int32),
        pltpu.VMEM((BPW * EMB,), jnp.int32),
        pltpu.VMEM((BPW * EMB,), jnp.float32),
        pltpu.VMEM((BPW * EMB,), jnp.float32),
        pltpu.VMEM((2 * L,), jnp.float32),
        pltpu.VMEM((BPW,), jnp.float32),
        pltpu.VMEM_SHARED((TRSTRIDE,), jnp.float32),
        pltpu.SemaphoreType.DMA,
        pltpu.SemaphoreType.DMA,
        pltpu.SemaphoreType.DMA,
    ],
    compiler_params=pltpu.CompilerParams(
        needs_layout_passes=False, use_tc_tiling_on_sc=False),
)
def _menu_item_sc(*refs):
    _body(*refs)


def _flat_tiled(t):
    return t.reshape(NTILE, 128, 2, 8).transpose(2, 0, 3, 1).reshape(FLAT)


def kernel(x, i_table, a_table, W, b):
    x = x.astype(jnp.int32)
    xf = x.reshape(BATCH // 128, 128, 2).transpose(0, 2, 1).reshape(2 * BATCH)
    wb = jnp.concatenate(
        [W.reshape(EMB), b.reshape(1),
         jnp.zeros((2 * L - EMB - 1,), jnp.float32)])
    it = _flat_tiled(i_table[:NROW])
    at = _flat_tiled(jnp.pad(a_table, ((0, NROW - NID), (0, 0))))
    out = _menu_item_sc(xf, it, at, wb)
    return out.reshape(BATCH, 1)

# --- scband reference (transcript-rebuilt; emitter-appended) ---
"""Pipeline reference for scband-menu-item-embedding-60232621359210 (READ-ONLY COPY).

The authoritative reference and input builder live on the scoring server;
editing this copy changes nothing except your own understanding.
"""

import jax, jax.numpy as jnp
import numpy as np

LEN_ITEMS = 1000000
LEN_ATTRS = 100000
EMB = 16
BATCH = 16384

def setup_inputs(seed: int = 0) -> dict:
    key = jax.random.key(seed)
    k1, k2, k3, k4, k5 = jax.random.split(key, 5)
    x = jax.random.randint(k1, (BATCH, 2), 0, 100000, dtype=jnp.int64) if jax.config.jax_enable_x64 else jax.random.randint(k1, (BATCH, 2), 0, 100000, dtype=jnp.int32)
    i_table = jax.random.normal(k2, (LEN_ITEMS, EMB), dtype=jnp.float32) * 0.02
    a_table = jax.random.normal(k3, (LEN_ATTRS, EMB), dtype=jnp.float32) * 0.02
    W = jax.random.normal(k4, (EMB, 1), dtype=jnp.float32) * (1.0 / np.sqrt(EMB))
    b = jnp.zeros((1,), dtype=jnp.float32)
    return {"x": x, "i_table": i_table, "a_table": a_table, "W": W, "b": b}

def reference(x, i_table, a_table, W, b):
    item_ids = x[:, 0]
    attribute_ids = x[:, 1]
    i_emb = jnp.take(i_table, item_ids, axis=0)
    a_emb = jnp.take(a_table, attribute_ids, axis=0)
    m_g = i_emb * a_emb
    m_g = m_g @ W + b
    return jax.nn.sigmoid(m_g)

if __name__ == "__main__":
    import jax
    _d = setup_inputs()
    print(jax.jit(kernel)(*tuple(_d.values())))

</pallas_src>

<mosaic_0001>
#map = affine_map<(d0, d1) -> (0)>
module attributes {stable_mosaic.version = 14 : i64} {
  func.func @_menu_item_sc(%arg0: i32, %arg1: i32, %arg2: memref<32768xi32, #tpu.memory_space<hbm>>, %arg3: memref<1601536xf32, #tpu.memory_space<hbm>>, %arg4: memref<1601536xf32, #tpu.memory_space<hbm>>, %arg5: memref<32xf32, #tpu.memory_space<hbm>>, %arg6: memref<16384xf32, #tpu.memory_space<hbm>>, %arg7: memref<1024xi32, #tpu.memory_space<vmem>>, %arg8: memref<8192xi32, #tpu.memory_space<vmem>>, %arg9: memref<8192xi32, #tpu.memory_space<vmem>>, %arg10: memref<8192xf32, #tpu.memory_space<vmem>>, %arg11: memref<8192xf32, #tpu.memory_space<vmem>>, %arg12: memref<32xf32, #tpu.memory_space<vmem>>, %arg13: memref<512xf32, #tpu.memory_space<vmem>>, %arg14: memref<800768xf32, #tpu.memory_space<vmem_shared>>, %arg15: memref<!tpu.dma_semaphore, #tpu.memory_space<semaphore_mem>>, %arg16: memref<!tpu.dma_semaphore, #tpu.memory_space<semaphore_mem>>, %arg17: memref<!tpu.dma_semaphore, #tpu.memory_space<semaphore_mem>>) attributes {dimension_semantics = [#tpu.dimension_semantics<core_parallel>, #tpu.dimension_semantics<subcore_parallel>], iteration_bounds = array<i64: 2, 16>, scalar_prefetch = 0 : i64, scratch_operands = 11 : i64, tpu.core_type = #tpu.core_type<sc_vector_subcore>, window_params = [{transform_indices = #map}, {transform_indices = #map}, {transform_indices = #map}, {transform_indices = #map}, {transform_indices = #map}]} {
    %mul3A = arith.constant 2 : i32
    %mul3A_0 = arith.muli %arg1, %mul3A : i32
    %add3A = arith.addi %mul3A_0, %arg0 : i32
    %mul3A_1 = arith.constant 512 : i32
    %mul3A_2 = arith.muli %add3A, %mul3A_1 : i32
    %mul3A_3 = arith.constant 50048 : i32
    %mul3A_4 = arith.muli %arg1, %mul3A_3 : i32
    %mul3A_5 = arith.constant 50048 : i32
    %mul3A_6 = arith.muli %arg1, %mul3A_5 : i32
    %dma_start3A = tpu.memref_slice %arg14[%mul3A_6] : memref<800768xf32, #tpu.memory_space<vmem_shared>> -> memref<50048xf32, #tpu.memory_space<vmem_shared>>
    %dma_start3A_7 = tpu.memref_slice %arg4[%mul3A_4] : memref<1601536xf32, #tpu.memory_space<hbm>> -> memref<50048xf32, #tpu.memory_space<hbm>>
    tpu.enqueue_dma source(%dma_start3A_7 : memref<50048xf32, #tpu.memory_space<hbm>>) target(%dma_start3A : memref<50048xf32, #tpu.memory_space<vmem_shared>>) target_semaphore(%arg17 : memref<!tpu.dma_semaphore, #tpu.memory_space<semaphore_mem>>)
    %mul3A_8 = arith.constant 2 : i32
    %mul3A_9 = arith.muli %mul3A_2, %mul3A_8 : i32
    "tpu.region"() ({
      %run_scoped3A = tpu.sem_alloc : memref<!tpu.dma_semaphore, #tpu.memory_space<semaphore_mem>>
      %dma_start3A_83 = tpu.memref_slice %arg2[%mul3A_9] : memref<32768xi32, #tpu.memory_space<hbm>> -> memref<1024xi32, #tpu.memory_space<hbm>>
      %dma_start3A_84 = tpu.memref_slice %arg2[%mul3A_9] : memref<32768xi32, #tpu.memory_space<hbm>> -> memref<1024xi32, #tpu.memory_space<hbm>>
      tpu.enqueue_dma source(%dma_start3A_84 : memref<1024xi32, #tpu.memory_space<hbm>>) target(%arg7 : memref<1024xi32, #tpu.memory_space<vmem>>) target_semaphore(%run_scoped3A : memref<!tpu.dma_semaphore, #tpu.memory_space<semaphore_mem>>)
      %dma_wait3A_85 = tpu.memref_slice %arg2[%mul3A_9] : memref<32768xi32, #tpu.memory_space<hbm>> -> memref<1024xi32, #tpu.memory_space<hbm>>
      %dma_wait3A_86 = tpu.memref_slice %arg2[%mul3A_9] : memref<32768xi32, #tpu.memory_space<hbm>> -> memref<1024xi32, #tpu.memory_space<hbm>>
      tpu.wait_dma2 semaphore(%run_scoped3A : memref<!tpu.dma_semaphore, #tpu.memory_space<semaphore_mem>>) src(%dma_wait3A_86 : memref<1024xi32, #tpu.memory_space<hbm>>) dst(%arg7 : memref<1024xi32, #tpu.memory_space<vmem>>)
      tpu.yield
    }) : () -> ()
    "tpu.region"() ({
      %run_scoped3A = tpu.sem_alloc : memref<!tpu.dma_semaphore, #tpu.memory_space<semaphore_mem>>
      tpu.enqueue_dma source(%arg5 : memref<32xf32, #tpu.memory_space<hbm>>) target(%arg12 : memref<32xf32, #tpu.memory_space<vmem>>) target_semaphore(%run_scoped3A : memref<!tpu.dma_semaphore, #tpu.memory_space<semaphore_mem>>)
      tpu.wait_dma2 semaphore(%run_scoped3A : memref<!tpu.dma_semaphore, #tpu.memory_space<semaphore_mem>>) src(%arg5 : memref<32xf32, #tpu.memory_space<hbm>>) dst(%arg12 : memref<32xf32, #tpu.memory_space<vmem>>)
      tpu.yield
    }) : () -> ()
    %scan3A = arith.constant 0 : i32
    %scan3A_10 = arith.constant 0 : i32
    %scan3A_11 = arith.constant 32 : i32
    %scan3A_12 = arith.addi %scan3A_10, %scan3A_11 : i32
    %scan3A_13 = arith.constant 1 : i32
    scf.for %scan3A_83 = %scan3A_10 to %scan3A_12 step %scan3A_13  : i32 {
      %mul3A_84 = arith.constant 256 : i32
      %mul3A_85 = arith.muli %scan3A_83, %mul3A_84 : i32
      %shift_right_arithmetic3A = arith.constant 3 : i32
      %shift_right_arithmetic3A_86 = arith.shrsi %scan3A_83, %shift_right_arithmetic3A : i32
      %mul3A_87 = arith.constant 256 : i32
      %mul3A_88 = arith.muli %shift_right_arithmetic3A_86, %mul3A_87 : i32
      %and3A = arith.constant 7 : i32
      %and3A_89 = arith.andi %scan3A_83, %and3A : i32
      %mul3A_90 = arith.constant 16 : i32
      %mul3A_91 = arith.muli %and3A_89, %mul3A_90 : i32
      %add3A_92 = arith.addi %mul3A_88, %mul3A_91 : i32
      %get3A_93 = arith.index_cast %add3A_92 : i32 to index
      %get3A_94 = tpu.vector_load %arg7[%get3A_93] {strides = array<i32>} : memref<1024xi32, #tpu.memory_space<vmem>>, vector<16xi32>,
      %shift_right_arithmetic3A_95 = arith.constant 7 : i32
      %shift_right_arithmetic3A_96 = vector.broadcast %shift_right_arithmetic3A_95 : i32 to vector<16xi32>
      %shift_right_arithmetic3A_97 = arith.shrsi %get3A_94, %shift_right_arithmetic3A_96 : vector<16xi32>
      %shift_left3A = arith.constant 10 : i32
      %shift_left3A_98 = vector.broadcast %shift_left3A : i32 to vector<16xi32>
      %shift_left3A_99 = arith.shli %shift_right_arithmetic3A_97, %shift_left3A_98 : vector<16xi32>
      %and3A_100 = arith.constant 127 : i32
      %and3A_101 = vector.broadcast %and3A_100 : i32 to vector<16xi32>
      %and3A_102 = arith.andi %get3A_94, %and3A_101 : vector<16xi32>
      %add3A_103 = arith.addi %shift_left3A_99, %and3A_102 : vector<16xi32>
      %add3A_104 = arith.constant 0 : i32
      %add3A_105 = vector.broadcast %add3A_104 : i32 to vector<16xi32>
      %add3A_106 = arith.addi %add3A_103, %add3A_105 : vector<16xi32>
      %add3A_107 = arith.constant 0 : i32
      %add3A_108 = arith.addi %mul3A_85, %add3A_107 : i32
      %swap3A = arith.index_cast %add3A_108 : i32 to index
      %swap3A_109 = tpu.vector_load %arg8[%swap3A] {strides = array<i32>} : memref<8192xi32, #tpu.memory_space<vmem>>, vector<16xi32>,
      tpu.vector_store %arg8[%swap3A], %add3A_106 {strides = array<i32>} : memref<8192xi32, #tpu.memory_space<vmem>>, vector<16xi32>,
      %add3A_110 = arith.constant 128 : i32
      %add3A_111 = vector.broadcast %add3A_110 : i32 to vector<16xi32>
      %add3A_112 = arith.addi %add3A_103, %add3A_111 : vector<16xi32>
      %add3A_113 = arith.constant 16 : i32
      %add3A_114 = arith.addi %mul3A_85, %add3A_113 : i32
      %swap3A_115 = arith.index_cast %add3A_114 : i32 to index
      %swap3A_116 = tpu.vector_load %arg8[%swap3A_115] {strides = array<i32>} : memref<8192xi32, #tpu.memory_space<vmem>>, vector<16xi32>,
      tpu.vector_store %arg8[%swap3A_115], %add3A_112 {strides = array<i32>} : memref<8192xi32, #tpu.memory_space<vmem>>, vector<16xi32>,
      %add3A_117 = arith.constant 256 : i32
      %add3A_118 = vector.broadcast %add3A_117 : i32 to vector<16xi32>
      %add3A_119 = arith.addi %add3A_103, %add3A_118 : vector<16xi32>
      %add3A_120 = arith.constant 32 : i32
      %add3A_121 = arith.addi %mul3A_85, %add3A_120 : i32
      %swap3A_122 = arith.index_cast %add3A_121 : i32 to index
      %swap3A_123 = tpu.vector_load %arg8[%swap3A_122] {strides = array<i32>} : memref<8192xi32, #tpu.memory_space<vmem>>, vector<16xi32>,
      tpu.vector_store %arg8[%swap3A_122], %add3A_119 {strides = array<i32>} : memref<8192xi32, #tpu.memory_space<vmem>>, vector<16xi32>,
      %add3A_124 = arith.constant 384 : i32
      %add3A_125 = vector.broadcast %add3A_124 : i32 to vector<16xi32>
      %add3A_126 = arith.addi %add3A_103, %add3A_125 : vector<16xi32>
      %add3A_127 = arith.constant 48 : i32
      %add3A_128 = arith.addi %mul3A_85, %add3A_127 : i32
      %swap3A_129 = arith.index_cast %add3A_128 : i32 to index
      %swap3A_130 = tpu.vector_load %arg8[%swap3A_129] {strides = array<i32>} : memref<8192xi32, #tpu.memory_space<vmem>>, vector<16xi32>,
      tpu.vector_store %arg8[%swap3A_129], %add3A_126 {strides = array<i32>} : memref<8192xi32, #tpu.memory_space<vmem>>, vector<16xi32>,
      %add3A_131 = arith.constant 512 : i32
      %add3A_132 = vector.broadcast %add3A_131 : i32 to vector<16xi32>
      %add3A_133 = arith.addi %add3A_103, %add3A_132 : vector<16xi32>
      %add3A_134 = arith.constant 64 : i32
      %add3A_135 = arith.addi %mul3A_85, %add3A_134 : i32
      %swap3A_136 = arith.index_cast %add3A_135 : i32 to index
      %swap3A_137 = tpu.vector_load %arg8[%swap3A_136] {strides = array<i32>} : memref<8192xi32, #tpu.memory_space<vmem>>, vector<16xi32>,
      tpu.vector_store %arg8[%swap3A_136], %add3A_133 {strides = array<i32>} : memref<8192xi32, #tpu.memory_space<vmem>>, vector<16xi32>,
      %add3A_138 = arith.constant 640 : i32
      %add3A_139 = vector.broadcast %add3A_138 : i32 to vector<16xi32>
      %add3A_140 = arith.addi %add3A_103, %add3A_139 : vector<16xi32>
      %add3A_141 = arith.constant 80 : i32
      %add3A_142 = arith.addi %mul3A_85, %add3A_141 : i32
      %swap3A_143 = arith.index_cast %add3A_142 : i32 to index
      %swap3A_144 = tpu.vector_load %arg8[%swap3A_143] {strides = array<i32>} : memref<8192xi32, #tpu.memory_space<vmem>>, vector<16xi32>,
      tpu.vector_store %arg8[%swap3A_143], %add3A_140 {strides = array<i32>} : memref<8192xi32, #tpu.memory_space<vmem>>, vector<16xi32>,
      %add3A_145 = arith.constant 768 : i32
      %add3A_146 = vector.broadcast %add3A_145 : i32 to vector<16xi32>
      %add3A_147 = arith.addi %add3A_103, %add3A_146 : vector<16xi32>
      %add3A_148 = arith.constant 96 : i32
      %add3A_149 = arith.addi %mul3A_85, %add3A_148 : i32
      %swap3A_150 = arith.index_cast %add3A_149 : i32 to index
      %swap3A_151 = tpu.vector_load %arg8[%swap3A_150] {strides = array<i32>} : memref<8192xi32, #tpu.memory_space<vmem>>, vector<16xi32>,
      tpu.vector_store %arg8[%swap3A_150], %add3A_147 {strides = array<i32>} : memref<8192xi32, #tpu.memory_space<vmem>>, vector<16xi32>,
      %add3A_152 = arith.constant 896 : i32
      %add3A_153 = vector.broadcast %add3A_152 : i32 to vector<16xi32>
      %add3A_154 = arith.addi %add3A_103, %add3A_153 : vector<16xi32>
      %add3A_155 = arith.constant 112 : i32
      %add3A_156 = arith.addi %mul3A_85, %add3A_155 : i32
      %swap3A_157 = arith.index_cast %add3A_156 : i32 to index
      %swap3A_158 = tpu.vector_load %arg8[%swap3A_157] {strides = array<i32>} : memref<8192xi32, #tpu.memory_space<vmem>>, vector<16xi32>,
      tpu.vector_store %arg8[%swap3A_157], %add3A_154 {strides = array<i32>} : memref<8192xi32, #tpu.memory_space<vmem>>, vector<16xi32>,
      %add3A_159 = arith.constant 800768 : i32
      %add3A_160 = vector.broadcast %add3A_159 : i32 to vector<16xi32>
      %add3A_161 = arith.addi %add3A_103, %add3A_160 : vector<16xi32>
      %add3A_162 = arith.constant 128 : i32
      %add3A_163 = arith.addi %mul3A_85, %add3A_162 : i32
      %swap3A_164 = arith.index_cast %add3A_163 : i32 to index
      %swap3A_165 = tpu.vector_load %arg8[%swap3A_164] {strides = array<i32>} : memref<8192xi32, #tpu.memory_space<vmem>>, vector<16xi32>,
      tpu.vector_store %arg8[%swap3A_164], %add3A_161 {strides = array<i32>} : memref<8192xi32, #tpu.memory_space<vmem>>, vector<16xi32>,
      %add3A_166 = arith.constant 800896 : i32
      %add3A_167 = vector.broadcast %add3A_166 : i32 to vector<16xi32>
      %add3A_168 = arith.addi %add3A_103, %add3A_167 : vector<16xi32>
      %add3A_169 = arith.constant 144 : i32
      %add3A_170 = arith.addi %mul3A_85, %add3A_169 : i32
      %swap3A_171 = arith.index_cast %add3A_170 : i32 to index
      %swap3A_172 = tpu.vector_load %arg8[%swap3A_171] {strides = array<i32>} : memref<8192xi32, #tpu.memory_space<vmem>>, vector<16xi32>,
      tpu.vector_store %arg8[%swap3A_171], %add3A_168 {strides = array<i32>} : memref<8192xi32, #tpu.memory_space<vmem>>, vector<16xi32>,
      %add3A_173 = arith.constant 801024 : i32
      %add3A_174 = vector.broadcast %add3A_173 : i32 to vector<16xi32>
      %add3A_175 = arith.addi %add3A_103, %add3A_174 : vector<16xi32>
      %add3A_176 = arith.constant 160 : i32
      %add3A_177 = arith.addi %mul3A_85, %add3A_176 : i32
      %swap3A_178 = arith.index_cast %add3A_177 : i32 to index
      %swap3A_179 = tpu.vector_load %arg8[%swap3A_178] {strides = array<i32>} : memref<8192xi32, #tpu.memory_space<vmem>>, vector<16xi32>,
      tpu.vector_store %arg8[%swap3A_178], %add3A_175 {strides = array<i32>} : memref<8192xi32, #tpu.memory_space<vmem>>, vector<16xi32>,
      %add3A_180 = arith.constant 801152 : i32
      %add3A_181 = vector.broadcast %add3A_180 : i32 to vector<16xi32>
      %add3A_182 = arith.addi %add3A_103, %add3A_181 : vector<16xi32>
      %add3A_183 = arith.constant 176 : i32
      %add3A_184 = arith.addi %mul3A_85, %add3A_183 : i32
      %swap3A_185 = arith.index_cast %add3A_184 : i32 to index
      %swap3A_186 = tpu.vector_load %arg8[%swap3A_185] {strides = array<i32>} : memref<8192xi32, #tpu.memory_space<vmem>>, vector<16xi32>,
      tpu.vector_store %arg8[%swap3A_185], %add3A_182 {strides = array<i32>} : memref<8192xi32, #tpu.memory_space<vmem>>, vector<16xi32>,
      %add3A_187 = arith.constant 801280 : i32
      %add3A_188 = vector.broadcast %add3A_187 : i32 to vector<16xi32>
      %add3A_189 = arith.addi %add3A_103, %add3A_188 : vector<16xi32>
      %add3A_190 = arith.constant 192 : i32
      %add3A_191 = arith.addi %mul3A_85, %add3A_190 : i32
      %swap3A_192 = arith.index_cast %add3A_191 : i32 to index
      %swap3A_193 = tpu.vector_load %arg8[%swap3A_192] {strides = array<i32>} : memref<8192xi32, #tpu.memory_space<vmem>>, vector<16xi32>,
      tpu.vector_store %arg8[%swap3A_192], %add3A_189 {strides = array<i32>} : memref<8192xi32, #tpu.memory_space<vmem>>, vector<16xi32>,
      %add3A_194 = arith.constant 801408 : i32
      %add3A_195 = vector.broadcast %add3A_194 : i32 to vector<16xi32>
      %add3A_196 = arith.addi %add3A_103, %add3A_195 : vector<16xi32>
      %add3A_197 = arith.constant 208 : i32
      %add3A_198 = arith.addi %mul3A_85, %add3A_197 : i32
      %swap3A_199 = arith.index_cast %add3A_198 : i32 to index
      %swap3A_200 = tpu.vector_load %arg8[%swap3A_199] {strides = array<i32>} : memref<8192xi32, #tpu.memory_space<vmem>>, vector<16xi32>,
      tpu.vector_store %arg8[%swap3A_199], %add3A_196 {strides = array<i32>} : memref<8192xi32, #tpu.memory_space<vmem>>, vector<16xi32>,
      %add3A_201 = arith.constant 801536 : i32
      %add3A_202 = vector.broadcast %add3A_201 : i32 to vector<16xi32>
      %add3A_203 = arith.addi %add3A_103, %add3A_202 : vector<16xi32>
      %add3A_204 = arith.constant 224 : i32
      %add3A_205 = arith.addi %mul3A_85, %add3A_204 : i32
      %swap3A_206 = arith.index_cast %add3A_205 : i32 to index
      %swap3A_207 = tpu.vector_load %arg8[%swap3A_206] {strides = array<i32>} : memref<8192xi32, #tpu.memory_space<vmem>>, vector<16xi32>,
      tpu.vector_store %arg8[%swap3A_206], %add3A_203 {strides = array<i32>} : memref<8192xi32, #tpu.memory_space<vmem>>, vector<16xi32>,
      %add3A_208 = arith.constant 801664 : i32
      %add3A_209 = vector.broadcast %add3A_208 : i32 to vector<16xi32>
      %add3A_210 = arith.addi %add3A_103, %add3A_209 : vector<16xi32>
      %add3A_211 = arith.constant 240 : i32
      %add3A_212 = arith.addi %mul3A_85, %add3A_211 : i32
      %swap3A_213 = arith.index_cast %add3A_212 : i32 to index
      %swap3A_214 = tpu.vector_load %arg8[%swap3A_213] {strides = array<i32>} : memref<8192xi32, #tpu.memory_space<vmem>>, vector<16xi32>,
      tpu.vector_store %arg8[%swap3A_213], %add3A_210 {strides = array<i32>} : memref<8192xi32, #tpu.memory_space<vmem>>, vector<16xi32>,
      %add3A_215 = arith.constant 0 : i32
      %add3A_216 = arith.addi %mul3A_85, %add3A_215 : i32
      %add3A_217 = arith.constant 0 : i32
      %add3A_218 = arith.addi %mul3A_85, %add3A_217 : i32
      %dma_start3A_219 = tpu.memref_slice %arg10[%add3A_218] : memref<8192xf32, #tpu.memory_space<vmem>> -> memref<128xf32, #tpu.memory_space<vmem>>
      %dma_start3A_220 = tpu.memref_slice %arg8[%add3A_216] : memref<8192xi32, #tpu.memory_space<vmem>> -> memref<128xi32, #tpu.memory_space<vmem>>
      %dma_start3A_221 = arith.constant 0 : i32
      %dma_start3A_222 = tpu.memref_slice %arg3[%dma_start3A_221] : memref<1601536xf32, #tpu.memory_space<hbm>> -> memref<1601536xf32, #tpu.memory_space<hbm>>
      tpu.enqueue_indirect_dma source(%dma_start3A_222 : memref<1601536xf32, #tpu.memory_space<hbm>>) target(%dma_start3A_219 : memref<128xf32, #tpu.memory_space<vmem>>) offsets(%dma_start3A_220 : memref<128xi32, #tpu.memory_space<vmem>>) semaphore(%arg15 : memref<!tpu.dma_semaphore, #tpu.memory_space<semaphore_mem>>)
      %add3A_223 = arith.constant 128 : i32
      %add3A_224 = arith.addi %mul3A_85, %add3A_223 : i32
      %add3A_225 = arith.constant 128 : i32
      %add3A_226 = arith.addi %mul3A_85, %add3A_225 : i32
      %dma_start3A_227 = tpu.memref_slice %arg10[%add3A_226] : memref<8192xf32, #tpu.memory_space<vmem>> -> memref<128xf32, #tpu.memory_space<vmem>>
      %dma_start3A_228 = tpu.memref_slice %arg8[%add3A_224] : memref<8192xi32, #tpu.memory_space<vmem>> -> memref<128xi32, #tpu.memory_space<vmem>>
      %dma_start3A_229 = arith.constant 0 : i32
      %dma_start3A_230 = tpu.memref_slice %arg3[%dma_start3A_229] : memref<1601536xf32, #tpu.memory_space<hbm>> -> memref<1601536xf32, #tpu.memory_space<hbm>>
      tpu.enqueue_indirect_dma source(%dma_start3A_230 : memref<1601536xf32, #tpu.memory_space<hbm>>) target(%dma_start3A_227 : memref<128xf32, #tpu.memory_space<vmem>>) offsets(%dma_start3A_228 : memref<128xi32, #tpu.memory_space<vmem>>) semaphore(%arg15 : memref<!tpu.dma_semaphore, #tpu.memory_space<semaphore_mem>>)
      %add3A_231 = arith.constant 128 : i32
      %add3A_232 = arith.addi %add3A_92, %add3A_231 : i32
      %get3A_233 = arith.index_cast %add3A_232 : i32 to index
      %get3A_234 = tpu.vector_load %arg7[%get3A_233] {strides = array<i32>} : memref<1024xi32, #tpu.memory_space<vmem>>, vector<16xi32>,
      %shift_right_arithmetic3A_235 = arith.constant 7 : i32
      %shift_right_arithmetic3A_236 = vector.broadcast %shift_right_arithmetic3A_235 : i32 to vector<16xi32>
      %shift_right_arithmetic3A_237 = arith.shrsi %get3A_234, %shift_right_arithmetic3A_236 : vector<16xi32>
      %shift_left3A_238 = arith.constant 10 : i32
      %shift_left3A_239 = vector.broadcast %shift_left3A_238 : i32 to vector<16xi32>
      %shift_left3A_240 = arith.shli %shift_right_arithmetic3A_237, %shift_left3A_239 : vector<16xi32>
      %and3A_241 = arith.constant 127 : i32
      %and3A_242 = vector.broadcast %and3A_241 : i32 to vector<16xi32>
      %and3A_243 = arith.andi %get3A_234, %and3A_242 : vector<16xi32>
      %add3A_244 = arith.addi %shift_left3A_240, %and3A_243 : vector<16xi32>
      %add3A_245 = arith.constant 0 : i32
      %add3A_246 = vector.broadcast %add3A_245 : i32 to vector<16xi32>
      %add3A_247 = arith.addi %add3A_244, %add3A_246 : vector<16xi32>
      %add3A_248 = arith.constant 0 : i32
      %add3A_249 = arith.addi %mul3A_85, %add3A_248 : i32
      %swap3A_250 = arith.index_cast %add3A_249 : i32 to index
      %swap3A_251 = tpu.vector_load %arg9[%swap3A_250] {strides = array<i32>} : memref<8192xi32, #tpu.memory_space<vmem>>, vector<16xi32>,
      tpu.vector_store %arg9[%swap3A_250], %add3A_247 {strides = array<i32>} : memref<8192xi32, #tpu.memory_space<vmem>>, vector<16xi32>,
      %add3A_252 = arith.constant 128 : i32
      %add3A_253 = vector.broadcast %add3A_252 : i32 to vector<16xi32>
      %add3A_254 = arith.addi %add3A_244, %add3A_253 : vector<16xi32>
      %add3A_255 = arith.constant 16 : i32
      %add3A_256 = arith.addi %mul3A_85, %add3A_255 : i32
      %swap3A_257 = arith.index_cast %add3A_256 : i32 to index
      %swap3A_258 = tpu.vector_load %arg9[%swap3A_257] {strides = array<i32>} : memref<8192xi32, #tpu.memory_space<vmem>>, vector<16xi32>,
      tpu.vector_store %arg9[%swap3A_257], %add3A_254 {strides = array<i32>} : memref<8192xi32, #tpu.memory_space<vmem>>, vector<16xi32>,
      %add3A_259 = arith.constant 256 : i32
      %add3A_260 = vector.broadcast %add3A_259 : i32 to vector<16xi32>
      %add3A_261 = arith.addi %add3A_244, %add3A_260 : vector<16xi32>
      %add3A_262 = arith.constant 32 : i32
      %add3A_263 = arith.addi %mul3A_85, %add3A_262 : i32
      %swap3A_264 = arith.index_cast %add3A_263 : i32 to index
      %swap3A_265 = tpu.vector_load %arg9[%swap3A_264] {strides = array<i32>} : memref<8192xi32, #tpu.memory_space<vmem>>, vector<16xi32>,
      tpu.vector_store %arg9[%swap3A_264], %add3A_261 {strides = array<i32>} : memref<8192xi32, #tpu.memory_space<vmem>>, vector<16xi32>,
      %add3A_266 = arith.constant 384 : i32
      %add3A_267 = vector.broadcast %add3A_266 : i32 to vector<16xi32>
      %add3A_268 = arith.addi %add3A_244, %add3A_267 : vector<16xi32>
      %add3A_269 = arith.constant 48 : i32
      %add3A_270 = arith.addi %mul3A_85, %add3A_269 : i32
      %swap3A_271 = arith.index_cast %add3A_270 : i32 to index
      %swap3A_272 = tpu.vector_load %arg9[%swap3A_271] {strides = array<i32>} : memref<8192xi32, #tpu.memory_space<vmem>>, vector<16xi32>,
      tpu.vector_store %arg9[%swap3A_271], %add3A_268 {strides = array<i32>} : memref<8192xi32, #tpu.memory_space<vmem>>, vector<16xi32>,
      %add3A_273 = arith.constant 512 : i32
      %add3A_274 = vector.broadcast %add3A_273 : i32 to vector<16xi32>
      %add3A_275 = arith.addi %add3A_244, %add3A_274 : vector<16xi32>
      %add3A_276 = arith.constant 64 : i32
      %add3A_277 = arith.addi %mul3A_85, %add3A_276 : i32
      %swap3A_278 = arith.index_cast %add3A_277 : i32 to index
      %swap3A_279 = tpu.vector_load %arg9[%swap3A_278] {strides = array<i32>} : memref<8192xi32, #tpu.memory_space<vmem>>, vector<16xi32>,
      tpu.vector_store %arg9[%swap3A_278], %add3A_275 {strides = array<i32>} : memref<8192xi32, #tpu.memory_space<vmem>>, vector<16xi32>,
      %add3A_280 = arith.constant 640 : i32
      %add3A_281 = vector.broadcast %add3A_280 : i32 to vector<16xi32>
      %add3A_282 = arith.addi %add3A_244, %add3A_281 : vector<16xi32>
      %add3A_283 = arith.constant 80 : i32
      %add3A_284 = arith.addi %mul3A_85, %add3A_283 : i32
      %swap3A_285 = arith.index_cast %add3A_284 : i32 to index
      %swap3A_286 = tpu.vector_load %arg9[%swap3A_285] {strides = array<i32>} : memref<8192xi32, #tpu.memory_space<vmem>>, vector<16xi32>,
      tpu.vector_store %arg9[%swap3A_285], %add3A_282 {strides = array<i32>} : memref<8192xi32, #tpu.memory_space<vmem>>, vector<16xi32>,
      %add3A_287 = arith.constant 768 : i32
      %add3A_288 = vector.broadcast %add3A_287 : i32 to vector<16xi32>
      %add3A_289 = arith.addi %add3A_244, %add3A_288 : vector<16xi32>
      %add3A_290 = arith.constant 96 : i32
      %add3A_291 = arith.addi %mul3A_85, %add3A_290 : i32
      %swap3A_292 = arith.index_cast %add3A_291 : i32 to index
      %swap3A_293 = tpu.vector_load %arg9[%swap3A_292] {strides = array<i32>} : memref<8192xi32, #tpu.memory_space<vmem>>, vector<16xi32>,
      tpu.vector_store %arg9[%swap3A_292], %add3A_289 {strides = array<i32>} : memref<8192xi32, #tpu.memory_space<vmem>>, vector<16xi32>,
      %add3A_294 = arith.constant 896 : i32
      %add3A_295 = vector.broadcast %add3A_294 : i32 to vector<16xi32>
      %add3A_296 = arith.addi %add3A_244, %add3A_295 : vector<16xi32>
      %add3A_297 = arith.constant 112 : i32
      %add3A_298 = arith.addi %mul3A_85, %add3A_297 : i32
      %swap3A_299 = arith.index_cast %add3A_298 : i32 to index
      %swap3A_300 = tpu.vector_load %arg9[%swap3A_299] {strides = array<i32>} : memref<8192xi32, #tpu.memory_space<vmem>>, vector<16xi32>,
      tpu.vector_store %arg9[%swap3A_299], %add3A_296 {strides = array<i32>} : memref<8192xi32, #tpu.memory_space<vmem>>, vector<16xi32>,
      %add3A_301 = arith.constant 800768 : i32
      %add3A_302 = vector.broadcast %add3A_301 : i32 to vector<16xi32>
      %add3A_303 = arith.addi %add3A_244, %add3A_302 : vector<16xi32>
      %add3A_304 = arith.constant 128 : i32
      %add3A_305 = arith.addi %mul3A_85, %add3A_304 : i32
      %swap3A_306 = arith.index_cast %add3A_305 : i32 to index
      %swap3A_307 = tpu.vector_load %arg9[%swap3A_306] {strides = array<i32>} : memref<8192xi32, #tpu.memory_space<vmem>>, vector<16xi32>,
      tpu.vector_store %arg9[%swap3A_306], %add3A_303 {strides = array<i32>} : memref<8192xi32, #tpu.memory_space<vmem>>, vector<16xi32>,
      %add3A_308 = arith.constant 800896 : i32
      %add3A_309 = vector.broadcast %add3A_308 : i32 to vector<16xi32>
      %add3A_310 = arith.addi %add3A_244, %add3A_309 : vector<16xi32>
      %add3A_311 = arith.constant 144 : i32
      %add3A_312 = arith.addi %mul3A_85, %add3A_311 : i32
      %swap3A_313 = arith.index_cast %add3A_312 : i32 to index
      %swap3A_314 = tpu.vector_load %arg9[%swap3A_313] {strides = array<i32>} : memref<8192xi32, #tpu.memory_space<vmem>>, vector<16xi32>,
      tpu.vector_store %arg9[%swap3A_313], %add3A_310 {strides = array<i32>} : memref<8192xi32, #tpu.memory_space<vmem>>, vector<16xi32>,
      %add3A_315 = arith.constant 801024 : i32
      %add3A_316 = vector.broadcast %add3A_315 : i32 to vector<16xi32>
      %add3A_317 = arith.addi %add3A_244, %add3A_316 : vector<16xi32>
      %add3A_318 = arith.constant 160 : i32
      %add3A_319 = arith.addi %mul3A_85, %add3A_318 : i32
      %swap3A_320 = arith.index_cast %add3A_319 : i32 to index
      %swap3A_321 = tpu.vector_load %arg9[%swap3A_320] {strides = array<i32>} : memref<8192xi32, #tpu.memory_space<vmem>>, vector<16xi32>,
      tpu.vector_store %arg9[%swap3A_320], %add3A_317 {strides = array<i32>} : memref<8192xi32, #tpu.memory_space<vmem>>, vector<16xi32>,
      %add3A_322 = arith.constant 801152 : i32
      %add3A_323 = vector.broadcast %add3A_322 : i32 to vector<16xi32>
      %add3A_324 = arith.addi %add3A_244, %add3A_323 : vector<16xi32>
      %add3A_325 = arith.constant 176 : i32
      %add3A_326 = arith.addi %mul3A_85, %add3A_325 : i32
      %swap3A_327 = arith.index_cast %add3A_326 : i32 to index
      %swap3A_328 = tpu.vector_load %arg9[%swap3A_327] {strides = array<i32>} : memref<8192xi32, #tpu.memory_space<vmem>>, vector<16xi32>,
      tpu.vector_store %arg9[%swap3A_327], %add3A_324 {strides = array<i32>} : memref<8192xi32, #tpu.memory_space<vmem>>, vector<16xi32>,
      %add3A_329 = arith.constant 801280 : i32
      %add3A_330 = vector.broadcast %add3A_329 : i32 to vector<16xi32>
      %add3A_331 = arith.addi %add3A_244, %add3A_330 : vector<16xi32>
      %add3A_332 = arith.constant 192 : i32
      %add3A_333 = arith.addi %mul3A_85, %add3A_332 : i32
      %swap3A_334 = arith.index_cast %add3A_333 : i32 to index
      %swap3A_335 = tpu.vector_load %arg9[%swap3A_334] {strides = array<i32>} : memref<8192xi32, #tpu.memory_space<vmem>>, vector<16xi32>,
      tpu.vector_store %arg9[%swap3A_334], %add3A_331 {strides = array<i32>} : memref<8192xi32, #tpu.memory_space<vmem>>, vector<16xi32>,
      %add3A_336 = arith.constant 801408 : i32
      %add3A_337 = vector.broadcast %add3A_336 : i32 to vector<16xi32>
      %add3A_338 = arith.addi %add3A_244, %add3A_337 : vector<16xi32>
      %add3A_339 = arith.constant 208 : i32
      %add3A_340 = arith.addi %mul3A_85, %add3A_339 : i32
      %swap3A_341 = arith.index_cast %add3A_340 : i32 to index
      %swap3A_342 = tpu.vector_load %arg9[%swap3A_341] {strides = array<i32>} : memref<8192xi32, #tpu.memory_space<vmem>>, vector<16xi32>,
      tpu.vector_store %arg9[%swap3A_341], %add3A_338 {strides = array<i32>} : memref<8192xi32, #tpu.memory_space<vmem>>, vector<16xi32>,
      %add3A_343 = arith.constant 801536 : i32
      %add3A_344 = vector.broadcast %add3A_343 : i32 to vector<16xi32>
      %add3A_345 = arith.addi %add3A_244, %add3A_344 : vector<16xi32>
      %add3A_346 = arith.constant 224 : i32
      %add3A_347 = arith.addi %mul3A_85, %add3A_346 : i32
      %swap3A_348 = arith.index_cast %add3A_347 : i32 to index
      %swap3A_349 = tpu.vector_load %arg9[%swap3A_348] {strides = array<i32>} : memref<8192xi32, #tpu.memory_space<vmem>>, vector<16xi32>,
      tpu.vector_store %arg9[%swap3A_348], %add3A_345 {strides = array<i32>} : memref<8192xi32, #tpu.memory_space<vmem>>, vector<16xi32>,
      %add3A_350 = arith.constant 801664 : i32
      %add3A_351 = vector.broadcast %add3A_350 : i32 to vector<16xi32>
      %add3A_352 = arith.addi %add3A_244, %add3A_351 : vector<16xi32>
      %add3A_353 = arith.constant 240 : i32
      %add3A_354 = arith.addi %mul3A_85, %add3A_353 : i32
      %swap3A_355 = arith.index_cast %add3A_354 : i32 to index
      %swap3A_356 = tpu.vector_load %arg9[%swap3A_355] {strides = array<i32>} : memref<8192xi32, #tpu.memory_space<vmem>>, vector<16xi32>,
      tpu.vector_store %arg9[%swap3A_355], %add3A_352 {strides = array<i32>} : memref<8192xi32, #tpu.memory_space<vmem>>, vector<16xi32>,
      %add3A_357 = arith.constant 128 : i32
      %add3A_358 = arith.addi %mul3A_85, %add3A_357 : i32
      %add3A_359 = arith.constant 128 : i32
      %add3A_360 = arith.addi %mul3A_85, %add3A_359 : i32
      %dma_start3A_361 = tpu.memref_slice %arg11[%add3A_360] : memref<8192xf32, #tpu.memory_space<vmem>> -> memref<128xf32, #tpu.memory_space<vmem>>
      %dma_start3A_362 = tpu.memref_slice %arg9[%add3A_358] : memref<8192xi32, #tpu.memory_space<vmem>> -> memref<128xi32, #tpu.memory_space<vmem>>
      %dma_start3A_363 = arith.constant 0 : i32
      %dma_start3A_364 = tpu.memref_slice %arg4[%dma_start3A_363] : memref<1601536xf32, #tpu.memory_space<hbm>> -> memref<1601536xf32, #tpu.memory_space<hbm>>
      tpu.enqueue_indirect_dma source(%dma_start3A_364 : memref<1601536xf32, #tpu.memory_space<hbm>>) target(%dma_start3A_361 : memref<128xf32, #tpu.memory_space<vmem>>) offsets(%dma_start3A_362 : memref<128xi32, #tpu.memory_space<vmem>>) semaphore(%arg16 : memref<!tpu.dma_semaphore, #tpu.memory_space<semaphore_mem>>)
    }
    %scan3A_14 = arith.constant 32 : i32
    %dma_wait3A = tpu.memref_slice %arg14[%mul3A_6] : memref<800768xf32, #tpu.memory_space<vmem_shared>> -> memref<50048xf32, #tpu.memory_space<vmem_shared>>
    %dma_wait3A_15 = tpu.memref_slice %arg4[%mul3A_4] : memref<1601536xf32, #tpu.memory_space<hbm>> -> memref<50048xf32, #tpu.memory_space<hbm>>
    tpu.wait_dma2 semaphore(%arg17 : memref<!tpu.dma_semaphore, #tpu.memory_space<semaphore_mem>>) src(%dma_wait3A_15 : memref<50048xf32, #tpu.memory_space<hbm>>) dst(%dma_wait3A : memref<50048xf32, #tpu.memory_space<vmem_shared>>)
    %barrier3A = arith.constant 0 : index
    tpu.barrier barrier_id(%barrier3A)
    %scan3A_16 = arith.constant 0 : i32
    %scan3A_17 = arith.constant 0 : i32
    %scan3A_18 = arith.constant 32 : i32
    %scan3A_19 = arith.addi %scan3A_17, %scan3A_18 : i32
    %scan3A_20 = arith.constant 1 : i32
    scf.for %scan3A_83 = %scan3A_17 to %scan3A_19 step %scan3A_20  : i32 {
      %mul3A_84 = arith.constant 256 : i32
      %mul3A_85 = arith.muli %scan3A_83, %mul3A_84 : i32
      %dma_start3A_86 = tpu.memref_slice %arg11[%mul3A_85] : memref<8192xf32, #tpu.memory_space<vmem>> -> memref<128xf32, #tpu.memory_space<vmem>>
      %dma_start3A_87 = tpu.memref_slice %arg9[%mul3A_85] : memref<8192xi32, #tpu.memory_space<vmem>> -> memref<128xi32, #tpu.memory_space<vmem>>
      %dma_start3A_88 = arith.constant 0 : i32
      %dma_start3A_89 = tpu.memref_slice %arg14[%dma_start3A_88] : memref<800768xf32, #tpu.memory_space<vmem_shared>> -> memref<800768xf32, #tpu.memory_space<vmem_shared>>
      tpu.enqueue_indirect_dma source(%dma_start3A_89 : memref<800768xf32, #tpu.memory_space<vmem_shared>>) target(%dma_start3A_86 : memref<128xf32, #tpu.memory_space<vmem>>) offsets(%dma_start3A_87 : memref<128xi32, #tpu.memory_space<vmem>>) semaphore(%arg17 : memref<!tpu.dma_semaphore, #tpu.memory_space<semaphore_mem>>)
    }
    %scan3A_21 = arith.constant 32 : i32
    %get3A = arith.constant 0 : index
    %get3A_22 = tpu.vector_load %arg12[%get3A] {strides = array<i32>} : memref<32xf32, #tpu.memory_space<vmem>>, vector<16xf32>,
    %get3A_23 = arith.constant 16 : index
    %get3A_24 = tpu.vector_load %arg12[%get3A_23] {strides = array<i32>} : memref<32xf32, #tpu.memory_space<vmem>>, vector<16xf32>,
    %slice3A = vector.extract_strided_slice %get3A_22 {offsets = [0], sizes = [1], strides = [1]} : vector<16xf32> to vector<1xf32>
    %squeeze3A = vector.extract %slice3A[0] : f32 from vector<1xf32>
    %slice3A_25 = vector.extract_strided_slice %get3A_22 {offsets = [1], sizes = [1], strides = [1]} : vector<16xf32> to vector<1xf32>
    %squeeze3A_26 = vector.extract %slice3A_25[0] : f32 from vector<1xf32>
    %slice3A_27 = vector.extract_strided_slice %get3A_22 {offsets = [2], sizes = [1], strides = [1]} : vector<16xf32> to vector<1xf32>
    %squeeze3A_28 = vector.extract %slice3A_27[0] : f32 from vector<1xf32>
    %slice3A_29 = vector.extract_strided_slice %get3A_22 {offsets = [3], sizes = [1], strides = [1]} : vector<16xf32> to vector<1xf32>
    %squeeze3A_30 = vector.extract %slice3A_29[0] : f32 from vector<1xf32>
    %slice3A_31 = vector.extract_strided_slice %get3A_22 {offsets = [4], sizes = [1], strides = [1]} : vector<16xf32> to vector<1xf32>
    %squeeze3A_32 = vector.extract %slice3A_31[0] : f32 from vector<1xf32>
    %slice3A_33 = vector.extract_strided_slice %get3A_22 {offsets = [5], sizes = [1], strides = [1]} : vector<16xf32> to vector<1xf32>
    %squeeze3A_34 = vector.extract %slice3A_33[0] : f32 from vector<1xf32>
    %slice3A_35 = vector.extract_strided_slice %get3A_22 {offsets = [6], sizes = [1], strides = [1]} : vector<16xf32> to vector<1xf32>
    %squeeze3A_36 = vector.extract %slice3A_35[0] : f32 from vector<1xf32>
    %slice3A_37 = vector.extract_strided_slice %get3A_22 {offsets = [7], sizes = [1], strides = [1]} : vector<16xf32> to vector<1xf32>
    %squeeze3A_38 = vector.extract %slice3A_37[0] : f32 from vector<1xf32>
    %slice3A_39 = vector.extract_strided_slice %get3A_22 {offsets = [8], sizes = [1], strides = [1]} : vector<16xf32> to vector<1xf32>
    %squeeze3A_40 = vector.extract %slice3A_39[0] : f32 from vector<1xf32>
    %slice3A_41 = vector.extract_strided_slice %get3A_22 {offsets = [9], sizes = [1], strides = [1]} : vector<16xf32> to vector<1xf32>
    %squeeze3A_42 = vector.extract %slice3A_41[0] : f32 from vector<1xf32>
    %slice3A_43 = vector.extract_strided_slice %get3A_22 {offsets = [10], sizes = [1], strides = [1]} : vector<16xf32> to vector<1xf32>
    %squeeze3A_44 = vector.extract %slice3A_43[0] : f32 from vector<1xf32>
    %slice3A_45 = vector.extract_strided_slice %get3A_22 {offsets = [11], sizes = [1], strides = [1]} : vector<16xf32> to vector<1xf32>
    %squeeze3A_46 = vector.extract %slice3A_45[0] : f32 from vector<1xf32>
    %slice3A_47 = vector.extract_strided_slice %get3A_22 {offsets = [12], sizes = [1], strides = [1]} : vector<16xf32> to vector<1xf32>
    %squeeze3A_48 = vector.extract %slice3A_47[0] : f32 from vector<1xf32>
    %slice3A_49 = vector.extract_strided_slice %get3A_22 {offsets = [13], sizes = [1], strides = [1]} : vector<16xf32> to vector<1xf32>
    %squeeze3A_50 = vector.extract %slice3A_49[0] : f32 from vector<1xf32>
    %slice3A_51 = vector.extract_strided_slice %get3A_22 {offsets = [14], sizes = [1], strides = [1]} : vector<16xf32> to vector<1xf32>
    %squeeze3A_52 = vector.extract %slice3A_51[0] : f32 from vector<1xf32>
    %slice3A_53 = vector.extract_strided_slice %get3A_22 {offsets = [15], sizes = [1], strides = [1]} : vector<16xf32> to vector<1xf32>
    %squeeze3A_54 = vector.extract %slice3A_53[0] : f32 from vector<1xf32>
    %slice3A_55 = vector.extract_strided_slice %get3A_24 {offsets = [0], sizes = [1], strides = [1]} : vector<16xf32> to vector<1xf32>
    %squeeze3A_56 = vector.extract %slice3A_55[0] : f32 from vector<1xf32>
    %dma_wait3A_57 = arith.constant 0 : i32
    %dma_wait3A_58 = tpu.memref_slice %arg3[%dma_wait3A_57] : memref<1601536xf32, #tpu.memory_space<hbm>> -> memref<8192xf32, #tpu.memory_space<hbm>>
    %dma_wait3A_59 = arith.constant 0 : i32
    %dma_wait3A_60 = tpu.memref_slice %arg3[%dma_wait3A_59] : memref<1601536xf32, #tpu.memory_space<hbm>> -> memref<8192xf32, #tpu.memory_space<hbm>>
    tpu.wait_dma2 semaphore(%arg15 : memref<!tpu.dma_semaphore, #tpu.memory_space<semaphore_mem>>) src(%dma_wait3A_60 : memref<8192xf32, #tpu.memory_space<hbm>>) dst(%arg10 : memref<8192xf32, #tpu.memory_space<vmem>>)
    %dma_wait3A_61 = arith.constant 0 : i32
    %dma_wait3A_62 = tpu.memref_slice %arg11[%dma_wait3A_61] : memref<8192xf32, #tpu.memory_space<vmem>> -> memref<4096xf32, #tpu.memory_space<vmem>>
    %dma_wait3A_63 = arith.constant 0 : i32
    %dma_wait3A_64 = tpu.memref_slice %arg4[%dma_wait3A_63] : memref<1601536xf32, #tpu.memory_space<hbm>> -> memref<4096xf32, #tpu.memory_space<hbm>>
    %dma_wait3A_65 = arith.constant 0 : i32
    %dma_wait3A_66 = tpu.memref_slice %arg11[%dma_wait3A_65] : memref<8192xf32, #tpu.memory_space<vmem>> -> memref<4096xf32, #tpu.memory_space<vmem>>
    %dma_wait3A_67 = arith.constant 0 : i32
    %dma_wait3A_68 = tpu.memref_slice %arg4[%dma_wait3A_67] : memref<1601536xf32, #tpu.memory_space<hbm>> -> memref<4096xf32, #tpu.memory_space<hbm>>
    tpu.wait_dma2 semaphore(%arg16 : memref<!tpu.dma_semaphore, #tpu.memory_space<semaphore_mem>>) src(%dma_wait3A_68 : memref<4096xf32, #tpu.memory_space<hbm>>) dst(%dma_wait3A_66 : memref<4096xf32, #tpu.memory_space<vmem>>)
    %dma_wait3A_69 = arith.constant 0 : i32
    %dma_wait3A_70 = tpu.memref_slice %arg11[%dma_wait3A_69] : memref<8192xf32, #tpu.memory_space<vmem>> -> memref<4096xf32, #tpu.memory_space<vmem>>
    %dma_wait3A_71 = arith.constant 0 : i32
    %dma_wait3A_72 = tpu.memref_slice %arg4[%dma_wait3A_71] : memref<1601536xf32, #tpu.memory_space<hbm>> -> memref<4096xf32, #tpu.memory_space<hbm>>
    %dma_wait3A_73 = arith.constant 0 : i32
    %dma_wait3A_74 = tpu.memref_slice %arg11[%dma_wait3A_73] : memref<8192xf32, #tpu.memory_space<vmem>> -> memref<4096xf32, #tpu.memory_space<vmem>>
    %dma_wait3A_75 = arith.constant 0 : i32
    %dma_wait3A_76 = tpu.memref_slice %arg4[%dma_wait3A_75] : memref<1601536xf32, #tpu.memory_space<hbm>> -> memref<4096xf32, #tpu.memory_space<hbm>>
    tpu.wait_dma2 semaphore(%arg17 : memref<!tpu.dma_semaphore, #tpu.memory_space<semaphore_mem>>) src(%dma_wait3A_76 : memref<4096xf32, #tpu.memory_space<hbm>>) dst(%dma_wait3A_74 : memref<4096xf32, #tpu.memory_space<vmem>>)
    %scan3A_77 = arith.constant 0 : i32
    %scan3A_78 = arith.constant 0 : i32
    %scan3A_79 = arith.constant 32 : i32
    %scan3A_80 = arith.addi %scan3A_78, %scan3A_79 : i32
    %scan3A_81 = arith.constant 1 : i32
    scf.for %scan3A_83 = %scan3A_78 to %scan3A_80 step %scan3A_81  : i32 {
      %mul3A_84 = arith.constant 256 : i32
      %mul3A_85 = arith.muli %scan3A_83, %mul3A_84 : i32
      %broadcast_in_dim3A = vector.broadcast %squeeze3A_56 : f32 to vector<16xf32>
      %add3A_86 = arith.constant 0 : i32
      %add3A_87 = arith.addi %mul3A_85, %add3A_86 : i32
      %get3A_88 = arith.index_cast %add3A_87 : i32 to index
      %get3A_89 = tpu.vector_load %arg10[%get3A_88] {strides = array<i32>} : memref<8192xf32, #tpu.memory_space<vmem>>, vector<16xf32>,
      %add3A_90 = arith.constant 0 : i32
      %add3A_91 = arith.addi %mul3A_85, %add3A_90 : i32
      %get3A_92 = arith.index_cast %add3A_91 : i32 to index
      %get3A_93 = tpu.vector_load %arg11[%get3A_92] {strides = array<i32>} : memref<8192xf32, #tpu.memory_space<vmem>>, vector<16xf32>,
      %mul3A_94 = arith.mulf %get3A_89, %get3A_93 : vector<16xf32>
      %mul3A_95 = vector.broadcast %squeeze3A : f32 to vector<16xf32>
      %mul3A_96 = arith.mulf %mul3A_94, %mul3A_95 : vector<16xf32>
      %add3A_97 = arith.addf %broadcast_in_dim3A, %mul3A_96 : vector<16xf32>
      %add3A_98 = arith.constant 16 : i32
      %add3A_99 = arith.addi %mul3A_85, %add3A_98 : i32
      %get3A_100 = arith.index_cast %add3A_99 : i32 to index
      %get3A_101 = tpu.vector_load %arg10[%get3A_100] {strides = array<i32>} : memref<8192xf32, #tpu.memory_space<vmem>>, vector<16xf32>,
      %add3A_102 = arith.constant 16 : i32
      %add3A_103 = arith.addi %mul3A_85, %add3A_102 : i32
      %get3A_104 = arith.index_cast %add3A_103 : i32 to index
      %get3A_105 = tpu.vector_load %arg11[%get3A_104] {strides = array<i32>} : memref<8192xf32, #tpu.memory_space<vmem>>, vector<16xf32>,
      %mul3A_106 = arith.mulf %get3A_101, %get3A_105 : vector<16xf32>
      %mul3A_107 = vector.broadcast %squeeze3A_26 : f32 to vector<16xf32>
      %mul3A_108 = arith.mulf %mul3A_106, %mul3A_107 : vector<16xf32>
      %add3A_109 = arith.addf %add3A_97, %mul3A_108 : vector<16xf32>
      %add3A_110 = arith.constant 32 : i32
      %add3A_111 = arith.addi %mul3A_85, %add3A_110 : i32
      %get3A_112 = arith.index_cast %add3A_111 : i32 to index
      %get3A_113 = tpu.vector_load %arg10[%get3A_112] {strides = array<i32>} : memref<8192xf32, #tpu.memory_space<vmem>>, vector<16xf32>,
      %add3A_114 = arith.constant 32 : i32
      %add3A_115 = arith.addi %mul3A_85, %add3A_114 : i32
      %get3A_116 = arith.index_cast %add3A_115 : i32 to index
      %get3A_117 = tpu.vector_load %arg11[%get3A_116] {strides = array<i32>} : memref<8192xf32, #tpu.memory_space<vmem>>, vector<16xf32>,
      %mul3A_118 = arith.mulf %get3A_113, %get3A_117 : vector<16xf32>
      %mul3A_119 = vector.broadcast %squeeze3A_28 : f32 to vector<16xf32>
      %mul3A_120 = arith.mulf %mul3A_118, %mul3A_119 : vector<16xf32>
      %add3A_121 = arith.addf %add3A_109, %mul3A_120 : vector<16xf32>
      %add3A_122 = arith.constant 48 : i32
      %add3A_123 = arith.addi %mul3A_85, %add3A_122 : i32
      %get3A_124 = arith.index_cast %add3A_123 : i32 to index
      %get3A_125 = tpu.vector_load %arg10[%get3A_124] {strides = array<i32>} : memref<8192xf32, #tpu.memory_space<vmem>>, vector<16xf32>,
      %add3A_126 = arith.constant 48 : i32
      %add3A_127 = arith.addi %mul3A_85, %add3A_126 : i32
      %get3A_128 = arith.index_cast %add3A_127 : i32 to index
      %get3A_129 = tpu.vector_load %arg11[%get3A_128] {strides = array<i32>} : memref<8192xf32, #tpu.memory_space<vmem>>, vector<16xf32>,
      %mul3A_130 = arith.mulf %get3A_125, %get3A_129 : vector<16xf32>
      %mul3A_131 = vector.broadcast %squeeze3A_30 : f32 to vector<16xf32>
      %mul3A_132 = arith.mulf %mul3A_130, %mul3A_131 : vector<16xf32>
      %add3A_133 = arith.addf %add3A_121, %mul3A_132 : vector<16xf32>
      %add3A_134 = arith.constant 64 : i32
      %add3A_135 = arith.addi %mul3A_85, %add3A_134 : i32
      %get3A_136 = arith.index_cast %add3A_135 : i32 to index
      %get3A_137 = tpu.vector_load %arg10[%get3A_136] {strides = array<i32>} : memref<8192xf32, #tpu.memory_space<vmem>>, vector<16xf32>,
      %add3A_138 = arith.constant 64 : i32
      %add3A_139 = arith.addi %mul3A_85, %add3A_138 : i32
      %get3A_140 = arith.index_cast %add3A_139 : i32 to index
      %get3A_141 = tpu.vector_load %arg11[%get3A_140] {strides = array<i32>} : memref<8192xf32, #tpu.memory_space<vmem>>, vector<16xf32>,
      %mul3A_142 = arith.mulf %get3A_137, %get3A_141 : vector<16xf32>
      %mul3A_143 = vector.broadcast %squeeze3A_32 : f32 to vector<16xf32>
      %mul3A_144 = arith.mulf %mul3A_142, %mul3A_143 : vector<16xf32>
      %add3A_145 = arith.addf %add3A_133, %mul3A_144 : vector<16xf32>
      %add3A_146 = arith.constant 80 : i32
      %add3A_147 = arith.addi %mul3A_85, %add3A_146 : i32
      %get3A_148 = arith.index_cast %add3A_147 : i32 to index
      %get3A_149 = tpu.vector_load %arg10[%get3A_148] {strides = array<i32>} : memref<8192xf32, #tpu.memory_space<vmem>>, vector<16xf32>,
      %add3A_150 = arith.constant 80 : i32
      %add3A_151 = arith.addi %mul3A_85, %add3A_150 : i32
      %get3A_152 = arith.index_cast %add3A_151 : i32 to index
      %get3A_153 = tpu.vector_load %arg11[%get3A_152] {strides = array<i32>} : memref<8192xf32, #tpu.memory_space<vmem>>, vector<16xf32>,
      %mul3A_154 = arith.mulf %get3A_149, %get3A_153 : vector<16xf32>
      %mul3A_155 = vector.broadcast %squeeze3A_34 : f32 to vector<16xf32>
      %mul3A_156 = arith.mulf %mul3A_154, %mul3A_155 : vector<16xf32>
      %add3A_157 = arith.addf %add3A_145, %mul3A_156 : vector<16xf32>
      %add3A_158 = arith.constant 96 : i32
      %add3A_159 = arith.addi %mul3A_85, %add3A_158 : i32
      %get3A_160 = arith.index_cast %add3A_159 : i32 to index
      %get3A_161 = tpu.vector_load %arg10[%get3A_160] {strides = array<i32>} : memref<8192xf32, #tpu.memory_space<vmem>>, vector<16xf32>,
      %add3A_162 = arith.constant 96 : i32
      %add3A_163 = arith.addi %mul3A_85, %add3A_162 : i32
      %get3A_164 = arith.index_cast %add3A_163 : i32 to index
      %get3A_165 = tpu.vector_load %arg11[%get3A_164] {strides = array<i32>} : memref<8192xf32, #tpu.memory_space<vmem>>, vector<16xf32>,
      %mul3A_166 = arith.mulf %get3A_161, %get3A_165 : vector<16xf32>
      %mul3A_167 = vector.broadcast %squeeze3A_36 : f32 to vector<16xf32>
      %mul3A_168 = arith.mulf %mul3A_166, %mul3A_167 : vector<16xf32>
      %add3A_169 = arith.addf %add3A_157, %mul3A_168 : vector<16xf32>
      %add3A_170 = arith.constant 112 : i32
      %add3A_171 = arith.addi %mul3A_85, %add3A_170 : i32
      %get3A_172 = arith.index_cast %add3A_171 : i32 to index
      %get3A_173 = tpu.vector_load %arg10[%get3A_172] {strides = array<i32>} : memref<8192xf32, #tpu.memory_space<vmem>>, vector<16xf32>,
      %add3A_174 = arith.constant 112 : i32
      %add3A_175 = arith.addi %mul3A_85, %add3A_174 : i32
      %get3A_176 = arith.index_cast %add3A_175 : i32 to index
      %get3A_177 = tpu.vector_load %arg11[%get3A_176] {strides = array<i32>} : memref<8192xf32, #tpu.memory_space<vmem>>, vector<16xf32>,
      %mul3A_178 = arith.mulf %get3A_173, %get3A_177 : vector<16xf32>
      %mul3A_179 = vector.broadcast %squeeze3A_38 : f32 to vector<16xf32>
      %mul3A_180 = arith.mulf %mul3A_178, %mul3A_179 : vector<16xf32>
      %add3A_181 = arith.addf %add3A_169, %mul3A_180 : vector<16xf32>
      %add3A_182 = arith.constant 128 : i32
      %add3A_183 = arith.addi %mul3A_85, %add3A_182 : i32
      %get3A_184 = arith.index_cast %add3A_183 : i32 to index
      %get3A_185 = tpu.vector_load %arg10[%get3A_184] {strides = array<i32>} : memref<8192xf32, #tpu.memory_space<vmem>>, vector<16xf32>,
      %add3A_186 = arith.constant 128 : i32
      %add3A_187 = arith.addi %mul3A_85, %add3A_186 : i32
      %get3A_188 = arith.index_cast %add3A_187 : i32 to index
      %get3A_189 = tpu.vector_load %arg11[%get3A_188] {strides = array<i32>} : memref<8192xf32, #tpu.memory_space<vmem>>, vector<16xf32>,
      %mul3A_190 = arith.mulf %get3A_185, %get3A_189 : vector<16xf32>
      %mul3A_191 = vector.broadcast %squeeze3A_40 : f32 to vector<16xf32>
      %mul3A_192 = arith.mulf %mul3A_190, %mul3A_191 : vector<16xf32>
      %add3A_193 = arith.addf %add3A_181, %mul3A_192 : vector<16xf32>
      %add3A_194 = arith.constant 144 : i32
      %add3A_195 = arith.addi %mul3A_85, %add3A_194 : i32
      %get3A_196 = arith.index_cast %add3A_195 : i32 to index
      %get3A_197 = tpu.vector_load %arg10[%get3A_196] {strides = array<i32>} : memref<8192xf32, #tpu.memory_space<vmem>>, vector<16xf32>,
      %add3A_198 = arith.constant 144 : i32
      %add3A_199 = arith.addi %mul3A_85, %add3A_198 : i32
      %get3A_200 = arith.index_cast %add3A_199 : i32 to index
      %get3A_201 = tpu.vector_load %arg11[%get3A_200] {strides = array<i32>} : memref<8192xf32, #tpu.memory_space<vmem>>, vector<16xf32>,
      %mul3A_202 = arith.mulf %get3A_197, %get3A_201 : vector<16xf32>
      %mul3A_203 = vector.broadcast %squeeze3A_42 : f32 to vector<16xf32>
      %mul3A_204 = arith.mulf %mul3A_202, %mul3A_203 : vector<16xf32>
      %add3A_205 = arith.addf %add3A_193, %mul3A_204 : vector<16xf32>
      %add3A_206 = arith.constant 160 : i32
      %add3A_207 = arith.addi %mul3A_85, %add3A_206 : i32
      %get3A_208 = arith.index_cast %add3A_207 : i32 to index
      %get3A_209 = tpu.vector_load %arg10[%get3A_208] {strides = array<i32>} : memref<8192xf32, #tpu.memory_space<vmem>>, vector<16xf32>,
      %add3A_210 = arith.constant 160 : i32
      %add3A_211 = arith.addi %mul3A_85, %add3A_210 : i32
      %get3A_212 = arith.index_cast %add3A_211 : i32 to index
      %get3A_213 = tpu.vector_load %arg11[%get3A_212] {strides = array<i32>} : memref<8192xf32, #tpu.memory_space<vmem>>, vector<16xf32>,
      %mul3A_214 = arith.mulf %get3A_209, %get3A_213 : vector<16xf32>
      %mul3A_215 = vector.broadcast %squeeze3A_44 : f32 to vector<16xf32>
      %mul3A_216 = arith.mulf %mul3A_214, %mul3A_215 : vector<16xf32>
      %add3A_217 = arith.addf %add3A_205, %mul3A_216 : vector<16xf32>
      %add3A_218 = arith.constant 176 : i32
      %add3A_219 = arith.addi %mul3A_85, %add3A_218 : i32
      %get3A_220 = arith.index_cast %add3A_219 : i32 to index
      %get3A_221 = tpu.vector_load %arg10[%get3A_220] {strides = array<i32>} : memref<8192xf32, #tpu.memory_space<vmem>>, vector<16xf32>,
      %add3A_222 = arith.constant 176 : i32
      %add3A_223 = arith.addi %mul3A_85, %add3A_222 : i32
      %get3A_224 = arith.index_cast %add3A_223 : i32 to index
      %get3A_225 = tpu.vector_load %arg11[%get3A_224] {strides = array<i32>} : memref<8192xf32, #tpu.memory_space<vmem>>, vector<16xf32>,
      %mul3A_226 = arith.mulf %get3A_221, %get3A_225 : vector<16xf32>
      %mul3A_227 = vector.broadcast %squeeze3A_46 : f32 to vector<16xf32>
      %mul3A_228 = arith.mulf %mul3A_226, %mul3A_227 : vector<16xf32>
      %add3A_229 = arith.addf %add3A_217, %mul3A_228 : vector<16xf32>
      %add3A_230 = arith.constant 192 : i32
      %add3A_231 = arith.addi %mul3A_85, %add3A_230 : i32
      %get3A_232 = arith.index_cast %add3A_231 : i32 to index
      %get3A_233 = tpu.vector_load %arg10[%get3A_232] {strides = array<i32>} : memref<8192xf32, #tpu.memory_space<vmem>>, vector<16xf32>,
      %add3A_234 = arith.constant 192 : i32
      %add3A_235 = arith.addi %mul3A_85, %add3A_234 : i32
      %get3A_236 = arith.index_cast %add3A_235 : i32 to index
      %get3A_237 = tpu.vector_load %arg11[%get3A_236] {strides = array<i32>} : memref<8192xf32, #tpu.memory_space<vmem>>, vector<16xf32>,
      %mul3A_238 = arith.mulf %get3A_233, %get3A_237 : vector<16xf32>
      %mul3A_239 = vector.broadcast %squeeze3A_48 : f32 to vector<16xf32>
      %mul3A_240 = arith.mulf %mul3A_238, %mul3A_239 : vector<16xf32>
      %add3A_241 = arith.addf %add3A_229, %mul3A_240 : vector<16xf32>
      %add3A_242 = arith.constant 208 : i32
      %add3A_243 = arith.addi %mul3A_85, %add3A_242 : i32
      %get3A_244 = arith.index_cast %add3A_243 : i32 to index
      %get3A_245 = tpu.vector_load %arg10[%get3A_244] {strides = array<i32>} : memref<8192xf32, #tpu.memory_space<vmem>>, vector<16xf32>,
      %add3A_246 = arith.constant 208 : i32
      %add3A_247 = arith.addi %mul3A_85, %add3A_246 : i32
      %get3A_248 = arith.index_cast %add3A_247 : i32 to index
      %get3A_249 = tpu.vector_load %arg11[%get3A_248] {strides = array<i32>} : memref<8192xf32, #tpu.memory_space<vmem>>, vector<16xf32>,
      %mul3A_250 = arith.mulf %get3A_245, %get3A_249 : vector<16xf32>
      %mul3A_251 = vector.broadcast %squeeze3A_50 : f32 to vector<16xf32>
      %mul3A_252 = arith.mulf %mul3A_250, %mul3A_251 : vector<16xf32>
      %add3A_253 = arith.addf %add3A_241, %mul3A_252 : vector<16xf32>
      %add3A_254 = arith.constant 224 : i32
      %add3A_255 = arith.addi %mul3A_85, %add3A_254 : i32
      %get3A_256 = arith.index_cast %add3A_255 : i32 to index
      %get3A_257 = tpu.vector_load %arg10[%get3A_256] {strides = array<i32>} : memref<8192xf32, #tpu.memory_space<vmem>>, vector<16xf32>,
      %add3A_258 = arith.constant 224 : i32
      %add3A_259 = arith.addi %mul3A_85, %add3A_258 : i32
      %get3A_260 = arith.index_cast %add3A_259 : i32 to index
      %get3A_261 = tpu.vector_load %arg11[%get3A_260] {strides = array<i32>} : memref<8192xf32, #tpu.memory_space<vmem>>, vector<16xf32>,
      %mul3A_262 = arith.mulf %get3A_257, %get3A_261 : vector<16xf32>
      %mul3A_263 = vector.broadcast %squeeze3A_52 : f32 to vector<16xf32>
      %mul3A_264 = arith.mulf %mul3A_262, %mul3A_263 : vector<16xf32>
      %add3A_265 = arith.addf %add3A_253, %mul3A_264 : vector<16xf32>
      %add3A_266 = arith.constant 240 : i32
      %add3A_267 = arith.addi %mul3A_85, %add3A_266 : i32
      %get3A_268 = arith.index_cast %add3A_267 : i32 to index
      %get3A_269 = tpu.vector_load %arg10[%get3A_268] {strides = array<i32>} : memref<8192xf32, #tpu.memory_space<vmem>>, vector<16xf32>,
      %add3A_270 = arith.constant 240 : i32
      %add3A_271 = arith.addi %mul3A_85, %add3A_270 : i32
      %get3A_272 = arith.index_cast %add3A_271 : i32 to index
      %get3A_273 = tpu.vector_load %arg11[%get3A_272] {strides = array<i32>} : memref<8192xf32, #tpu.memory_space<vmem>>, vector<16xf32>,
      %mul3A_274 = arith.mulf %get3A_269, %get3A_273 : vector<16xf32>
      %mul3A_275 = vector.broadcast %squeeze3A_54 : f32 to vector<16xf32>
      %mul3A_276 = arith.mulf %mul3A_274, %mul3A_275 : vector<16xf32>
      %add3A_277 = arith.addf %add3A_265, %mul3A_276 : vector<16xf32>
      %neg3A = arith.constant 0.000000e+00 : f32
      %neg3A_278 = vector.broadcast %neg3A : f32 to vector<16xf32>
      %neg3A_279 = arith.subf %neg3A_278, %add3A_277 : vector<16xf32>
      %exp3A = math.exp %neg3A_279 : vector<16xf32>
      %add3A_280 = arith.constant 1.000000e+00 : f32
      %add3A_281 = vector.broadcast %add3A_280 : f32 to vector<16xf32>
      %add3A_282 = arith.addf %add3A_281, %exp3A : vector<16xf32>
      %div3A = arith.constant 1.000000e+00 : f32
      %div3A_283 = vector.broadcast %div3A : f32 to vector<16xf32>
      %div3A_284 = arith.divf %div3A_283, %add3A_282 : vector<16xf32>
      %mul3A_285 = arith.constant 16 : i32
      %mul3A_286 = arith.muli %scan3A_83, %mul3A_285 : i32
      %swap3A = arith.index_cast %mul3A_286 : i32 to index
      %swap3A_287 = tpu.vector_load %arg13[%swap3A] {strides = array<i32>} : memref<512xf32, #tpu.memory_space<vmem>>, vector<16xf32>,
      tpu.vector_store %arg13[%swap3A], %div3A_284 {strides = array<i32>} : memref<512xf32, #tpu.memory_space<vmem>>, vector<16xf32>,
    }
    %scan3A_82 = arith.constant 32 : i32
    "tpu.region"() ({
      %run_scoped3A = tpu.sem_alloc : memref<!tpu.dma_semaphore, #tpu.memory_space<semaphore_mem>>
      %dma_start3A_83 = tpu.memref_slice %arg6[%mul3A_2] : memref<16384xf32, #tpu.memory_space<hbm>> -> memref<512xf32, #tpu.memory_space<hbm>>
      %dma_start3A_84 = tpu.memref_slice %arg6[%mul3A_2] : memref<16384xf32, #tpu.memory_space<hbm>> -> memref<512xf32, #tpu.memory_space<hbm>>
      tpu.enqueue_dma source(%arg13 : memref<512xf32, #tpu.memory_space<vmem>>) target(%dma_start3A_84 : memref<512xf32, #tpu.memory_space<hbm>>) target_semaphore(%run_scoped3A : memref<!tpu.dma_semaphore, #tpu.memory_space<semaphore_mem>>)
      %dma_wait3A_85 = tpu.memref_slice %arg6[%mul3A_2] : memref<16384xf32, #tpu.memory_space<hbm>> -> memref<512xf32, #tpu.memory_space<hbm>>
      %dma_wait3A_86 = tpu.memref_slice %arg6[%mul3A_2] : memref<16384xf32, #tpu.memory_space<hbm>> -> memref<512xf32, #tpu.memory_space<hbm>>
      tpu.wait_dma2 semaphore(%run_scoped3A : memref<!tpu.dma_semaphore, #tpu.memory_space<semaphore_mem>>) src(%arg13 : memref<512xf32, #tpu.memory_space<vmem>>) dst(%dma_wait3A_86 : memref<512xf32, #tpu.memory_space<hbm>>)
      tpu.yield
    }) : () -> ()
    return
  }
}

</mosaic_0001>

<sc_bundles>
// kernel: kernel.3.cloned.1.call-start
scs
__scs_entry_jumppad:
0x0: {  	(pc) =	sbr.rel $0x88, $3  }
0x1: {  	(tag) =	ssettag $0x0;
	lr =	simm.s32 $0x1  }
0x2: {  	[smem:$0x3F9C] =	sst lr;
	_ =	strace $0xD0000000  }
0x3: {  	_ = 	snop  }
0x4: {  	_ = 	snop  }
0x5: {  	_ = 	snop  }
0x6: {  	_ = 	snop  }
0x7: {  	_ = 	snop  }
__scs_overlays_trampoline_lowered:
0x8: {  	[smem:$0x3FAB] =	sst s0  }
0x9: {  	[smem:$0x3FAC] =	sst s1  }
0xa: {  	[smem:$0x3FAD] =	sst s2  }
0xb: {  	[smem:$0x3FAE] =	sst s3  }
0xc: {  	[smem:$0x3FAF] =	sst s4  }
0xd: {  	[smem:$0x3FB0] =	sst s5  }
0xe: {  	[smem:$0x3FB1] =	sst s6  }
0xf: {  	[smem:$0x3FB2] =	sst s7  }
0x10: {  	[smem:$0x3FB3] =	sst s8  }
0x11: {  	[smem:$0x3FB4] =	sst s9;
	s0 =	simm.s32 @!p0 $0x0  }
0x12: {  	s1 =	sld [smem:$0x3F9A];
	s0 =	simm.s32 @p0 $0x1  }
0x13: {  	[smem:$0x3FB5] =	sst s0;
	s0 =	simm.s32 @!p1 $0x0  }
0x14: {  	s2 =	sld [smem:$0x3F99];
	s0 =	simm.s32 @p1 $0x1  }
0x15: {  	[smem:$0x3FB6] =	sst s0;
	s0 =	simm.s32 @!p2 $0x0  }
0x16: {  	s3 =	sld [smem:$0x3FDB];
	s0 =	simm.s32 @p2 $0x1  }
0x17: {  	s4 =	simm.s32 $0x1BF5;
	[smem:$0x3FB8] =	sst s0  }
0x18: {  	s0 =	sld [smem:$0x3F9B];
	_ =	swait.ge [sflag:s4], $0x0  }
0x19: {  	s7 =	sld [smem:$0x3F9C]  }
0x1a: {  	s8 =	sadd.s32 $0xFFFFE003, lr  }
0x1b: {  	s9 =	sadd.s32 $0xFFFFFEF7, lr;
	s5 =	simm.s32 $0xFFFFFFFF;
	p2 =	slt.u32 s8, $0xFFFFF086  }
0x1c: {  	p1 =	slt.u32 s9, $0xF7A;
	s5 =	simm.s32 @!p2 $0x0  }
0x1d: {  	s5 =	simm.s32 @p1 $0x1;
	p0 =	seq.s32 s7, s2  }
0x1e: {  	s7 =	smul.u32 @!p0 $0xF7A, s2;
	p2 =	seq.s32 @!p0 s5, $0x0  }
0x1f: {  	s9 =	smul.u32 $0xF7A, s1;
	s8 =	simm.s32 @!p0 $0x1BF5;
	p2 =	por !p2, p0  }
0x20: {  	[sflag:s8] =	ssyncset.s32 @!p0 $0xFFFFF086;
	s6 =	sadd.s32 @!p0 s3, s7;
	s7 =	simm.s32 @!p0 $0x108  }
0x21: {  	s3 =	sadd.s32 s3, s9;
	s6 =	sadd.s32 @!p0 $0x88, s6;
	s7 =	simm.s32 @p2 $0x1082  }
0x22: {  	[simem:s7], [sflag:s8] =	dma.local @!p0 [hbm:s6], $0xF7A  }
0x23: {  	s9 =	sor.u32 $0xD0000000, s2;
	s6 =	simm.s32 $0x108;
	_ =	swait.ge @!p0 [sflag:s8], $0x0  }
0x24: {  	s3 =	sadd.s32 $0x88, s3;
	s6 =	simm.s32 @!p1 $0x1082;
	[sflag:s4] =	ssyncset.s32 $0xFFFFF086  }
0x25: {  	[simem:s6], [sflag:s4] =	dma.local [hbm:s3], $0xF7A  }
0x26: {  	[smem:$0x3F9C] =	sst s1;
	(tag) =	ssettag s2;
	_ =	strace s9  }
0x27: {  	s1 =	sld [smem:$0x3FAC]  }
0x28: {  	s2 =	sld [smem:$0x3FAD]  }
0x29: {  	s4 =	sld [smem:$0x3FAF]  }
0x2a: {  	p0 =	seq.s32 s5, $0x0;
	s5 =	sld [smem:$0x3FB0]  }
0x2b: {  	s6 =	sld [smem:$0x3FB1]  }
0x2c: {  	s7 =	sld [smem:$0x3FB2]  }
0x2d: {  	s3 =	simm.s32 $0x108;
	s8 =	sld [smem:$0x3FB3]  }
0x2e: {  	s3 =	simm.s32 @!p0 $0x1082;
	s9 =	sld [smem:$0x3FB4]  }
0x2f: {  	lr =	sadd.s32 s0, s3;
	s0 =	sld [smem:$0x3FAB]  }
0x30: {  	s3 =	sld [smem:$0x3FAE]  }
0x31: {  	[smem:$0x3FB7] =	sst s10  }
0x32: {  	s10 =	sld [smem:$0x3FB5];
	_ =	sdelay $0x3  }
0x33: {  	p0 =	seq.s32 s10, $0x1;
	s10 =	sld [smem:$0x3FB7];
	_ =	sdelay $0x3  }
0x34: {  	[smem:$0x3FB7] =	sst s10  }
0x35: {  	s10 =	sld [smem:$0x3FB6];
	_ =	sdelay $0x3  }
0x36: {  	p1 =	seq.s32 s10, $0x1;
	s10 =	sld [smem:$0x3FB7];
	_ =	sdelay $0x3  }
0x37: {  	[smem:$0x3FB7] =	sst s10  }
0x38: {  	s10 =	sld [smem:$0x3FB8]  }
0x39: {  	_ = 	snop;
	(pc) =	sbr.ind lr, $3  }
0x3a: {  	_ = 	snop  }
0x3b: {  	_ = 	snop  }
0x3c: {  	p2 =	seq.s32 s10, $0x1;
	s10 =	sld [smem:$0x3FB7]  }
0x3d: {  	_ =	shalt  }
0x3e: {  	_ =	shalt  }
0x3f: {  	_ =	shalt  }
0x40: {  	_ =	shalt  }
0x41: {  	_ =	shalt  }
0x42: {  	_ =	shalt  }
0x43: {  	_ =	shalt  }
0x44: {  	_ =	shalt  }
0x45: {  	_ =	shalt  }
0x46: {  	_ =	shalt  }
0x47: {  	_ =	shalt  }
0x48: {  	_ =	shalt  }
0x49: {  	_ =	shalt  }
0x4a: {  	_ =	shalt  }
0x4b: {  	_ =	shalt  }
0x4c: {  	_ =	shalt  }
0x4d: {  	_ =	shalt  }
0x4e: {  	_ =	shalt  }
0x4f: {  	_ =	shalt  }
0x50: {  	_ =	shalt  }
0x51: {  	_ =	shalt  }
0x52: {  	_ =	shalt  }
0x53: {  	_ =	shalt  }
0x54: {  	_ =	shalt  }
0x55: {  	_ =	shalt  }
0x56: {  	_ =	shalt  }
0x57: {  	_ =	shalt  }
0x58: {  	_ =	shalt  }
0x59: {  	_ =	shalt  }
0x5a: {  	_ =	shalt  }
0x5b: {  	_ =	shalt  }
0x5c: {  	_ =	shalt  }
0x5d: {  	_ =	shalt  }
0x5e: {  	_ =	shalt  }
0x5f: {  	_ =	shalt  }
0x60: {  	_ =	shalt  }
0x61: {  	_ =	shalt  }
0x62: {  	_ =	shalt  }
0x63: {  	_ =	shalt  }
0x64: {  	_ =	shalt  }
0x65: {  	_ =	shalt  }
0x66: {  	_ =	shalt  }
0x67: {  	_ =	shalt  }
0x68: {  	_ =	shalt  }
0x69: {  	_ =	shalt  }
0x6a: {  	_ =	shalt  }
0x6b: {  	_ =	shalt  }
0x6c: {  	_ =	shalt  }
0x6d: {  	_ =	shalt  }
0x6e: {  	_ =	shalt  }
0x6f: {  	_ =	shalt  }
0x70: {  	_ =	shalt  }
0x71: {  	_ =	shalt  }
0x72: {  	_ =	shalt  }
0x73: {  	_ =	shalt  }
0x74: {  	_ =	shalt  }
0x75: {  	_ =	shalt  }
0x76: {  	_ =	shalt  }
0x77: {  	_ =	shalt  }
0x78: {  	_ =	shalt  }
0x79: {  	_ =	shalt  }
0x7a: {  	_ =	shalt  }
0x7b: {  	_ =	shalt  }
0x7c: {  	_ =	shalt  }
0x7d: {  	_ =	shalt  }
0x7e: {  	_ =	shalt  }
0x7f: {  	_ =	shalt  }
0x80: {  	_ =	shalt  }
0x81: {  	_ =	shalt  }
0x82: {  	_ =	shalt  }
0x83: {  	_ =	shalt  }
0x84: {  	_ =	shalt  }
0x85: {  	_ =	shalt  }
0x86: {  	_ =	shalt  }
0x87: {  	_ =	shalt  }
.Lfunc_end0:
.L_simem_size_0:
called_computation_lowered:
.L_overlay_start_0:
0x88: {  	s2 =	sld [smem:$0x3FD9]  }
0x89: {  	s3 =	sld [smem:$0x3FFE];
	_ =	sdelay $0x1  }
0x8a: {  	s1 =	srdreg.scid  }
0x8b: {  	s0 =	sand.u32 $0x1, s1  }
0x8c: {  	s17 =	sshll.u32 s0, $0xA;
	s2 =	sadd.s32 s3, s2  }
0x8d: {  	s2 =	sadd.s32 s2, s17  }
0x8e: {  	[smem:$0x3FC3] =	sst s2  }
0x8f: {  	_ = 	snop  }
0x90: {  	s2 =	sld [smem:$0x3FC9]  }
0x91: {  	s18 =	sld [smem:$0x3FD0];
	(tm) =	ssettm $0x1  }
0x92: {  	s4 =	sld [smem:$0x3FFB];
	_ =	sdelay $0x3  }
0x93: {  	_ =	strace s4  }
0x94: {  	s4 =	sld [smem:$0x3FFC];
	_ =	sdelay $0x3  }
0x95: {  	_ =	strace s4  }
0x96: {  	s4 =	sld [smem:$0x3FFD];
	_ =	sdelay $0x3  }
0x97: {  	_ =	strace s4  }
0x98: {  	_ =	strace $0x8FFFFFFF  }
0x99: {  	s19 =	sld [smem:$0x3FDB];
	_ =	sdelay $0x1  }
0x9a: {  	s5 =	simm.s32 $_scs_section_size  }
0x9b: {  	s6 =	simm.s32 $_size__tile_overlayer_lowered;
	s7 =	simm.s32 $_tile_overlayer_lowered  }
0x9c: {  	s22 =	simm.s32 $0x1BFF;
	s21 =	sshll.u32 s7, $0x1;
	s4 =	sadd.s32 s5, s19  }
0x9d: {  	s8 =	simm.s32 $0x0;
	s20 =	sshll.u32 s6, $0x1;
	s6 =	sadd.s32 s21, s4  }
0x9e: {  	[timem:s8], [sflag:s22] =	dma.local [hbm:s6], s20  }
0x9f: {  	_ =	swait.ge [sflag:s22], s20  }
0xa0: {  	s5 =	ssub.s32 $0x0, s20;
	[sflag:s22] =	ssyncset.done $0x0  }
0xa1: {  	[sflag:s22] =	ssyncadd.s32 s5;
	_ =	sdelay $0x1  }
0xa2: {  	s23 =	simm.s32 $0x1B8B  }
0xa3: {  	_ =	swait.ge [sflag:s23], $0x1  }
0xa4: {  	[sflag:s23] =	ssyncset.done $0x0  }
0xa5: {  	s25 =	simm.s32 $0x1B8E;
	s24 =	sld [smem:$0x3FFE];
	[sflag:s23] =	ssyncadd.s32 $0xFFFFFFFF  }
0xa6: {  	s26 =	simm.s32 $execute0_lowered;
	[smem:$0x3FD2] =	sst s25  }
0xa7: {  	s6 =	sshll.u32 s26, $0x1;
	_ =	strace $0x80000046;
	[dreg:$0x1] =	wrdreg $0xFFFFFFFF  }
0xa8: {  	s28 =	simm.s32 $_size_execute0_lowered;
	s4 =	sadd.s32 s4, s6;
	[dreg:$0x0] =	wrdreg $0x0  }
0xa9: {  	s6 =	sshll.u32 s28, $0x1;
	[dreg:$0x2] =	wrdreg s4  }
0xaa: {  	[dreg:$0x3] =	wrdreg s6  }
0xab: {  	[dreg:$0x4] =	wrdreg $0xC0  }
0xac: {  	_ =	task [dreg:s8], $0x5FFFF  }
0xad: {  	[dreg:$0x1] =	wrdreg $0xFFFFFFFF  }
0xae: {  	[dreg:$0x0] =	wrdreg $0x60  }
0xaf: {  	[dreg:$0x2] =	wrdreg s2  }
0xb0: {  	[dreg:$0x3] =	wrdreg s24  }
0xb1: {  	[dreg:$0x4] =	wrdreg s18  }
0xb2: {  	[dreg:$0x5] =	wrdreg $0x86200  }
0xb3: {  	[dreg:$0x6] =	wrdreg $0x9  }
0xb4: {  	_ =	task.clear_ibuf [dreg:s8], $0x7FFFF;
	_ =	strace $0x90000046  }
0xb5: {  	s29 =	simm.s32 $0x9;
	_ =	strace $0x80000048  }
0xb6: {  	_ =	swait.ge [sflag:s29], $0x1  }
0xb7: {  	[sflag:s29] =	ssyncadd.s32 $0xFFFFFFFF  }
0xb8: {  	_ =	strace $0x90000048  }
0xb9: {  	_ =	sfence  }
0xba: {  	s30 =	sld [smem:$0x0];
	_ =	sdelay $0x2  }
0xbb: {  	s31 =	sshll.u32 s1, $0xD;
	s1 =	sshrl.u32 s1, $0x2  }
0xbc: {  	s3 =	sand.u32 $0x4000, s31;
	s1 =	sadd.s32 s1, s30  }
0xbd: {  	s0 =	sor.u32 s3, s0;
	s1 =	sshll.u32 s1, $0x11  }
0xbe: {  	s0 =	sor.u32 s1, s0  }
0xbf: {  	s0 =	sadd.s32 $0x8F2B, s0  }
0xc0: {  	[sflag:s0] =	ssyncadd.remote.s32 $0x1  }
0xc1: {  	_ =	sfence.sel $0xFFFF  }
0xc2: {  	[dreg:$0x0] =	wrdreg $0xFFFFFFFF;
	(pc) =	sbr.abs _section_cstart, $3  }
0xc3: {  	[dreg:$0x1] =	wrdreg $0xFFFFFFFF  }
0xc4: {  	_ =	task.clear_ibuf [dreg:s8], $0x2FFFF;
	_ =	strace $0x9FFFFFFF  }
0xc5: {  	(tm) =	ssettm $0x7FFFFFFF  }
tec
execute0_lowered:
.L_overlay_start_1:
0x0: {  	(tag) =	ssettag $0x1  }
0x1: {  	s9 =	rddreg [dreg:$0x0]  }
0x2: {  	s6 =	rddreg [dreg:$0x1]  }
0x3: {  	s10 =	rddreg [dreg:$0x2]  }
0x4: {  	s1 =	rddreg [dreg:$0x3]  }
0x5: {  	s2 =	simm.s32 $0x0;
	s5 =	srdreg.scid;
	s0 =	stileid.u32  }
0x6: {  	s15 =	simm.s32 $0x80;
	s16 =	simm.s32 $0x3;
	s17 =	simm.s32 $0x1  }
0x7: {  	s18 =	simm.s32 $0x2;
	s19 =	simm.s32 $0x8420;
	s20 =	simm.s32 $0x0  }
0x8: {  	[smem:$0x7FF] =	sst s2;
	s4 =	sadd.s32 $0x800, s6;
	s7 =	sand.u32 $0x1, s5  }
0x9: {  	s5 =	sadd.s32 $0x31600, s6;
	s11 =	smul.u32 $0xC380, s0;
	s6 =	sadd.s32 $0x62400, s6  }
0xa: {  	s13 =	sshll.u32 s0, $0x1;
	s30 =	sshll.u32 s0, $0x6;
	s8 =	ssub.s32 $0x2, s7  }
0xb: {  	_ =	strace $0x80000047;
	s13 =	sor.u32 s7, s13;
	s12 =	sshrl.u32 s8, $0x1  }
0xc: {  	s29 =	sshrl.u32 s11, $0x3;
	s14 =	sadd.s32 s11, s1;
	s31 =	sshll.u32 s13, $0x7  }
0xd: {  	s13 =	sshll.u32 s13, $0x6;
	s12 =	ssub.s32 s8, s12;
	s7 =	sadd.s32 s5, s29  }
0xe: {  	s8 =	sor.u32 $0x1C03, s30;
	s9 =	sadd.s32 s9, s31;
	s10 =	sadd.s32 s10, s13  }
0xf: {  	s13 =	simm.s32 $0x4;
	s11 =	smax.u32 s12, $0x1;
	s12 =	sshrl.u32 s14, $0x3  }
.LBB2_1:
0x10: {  	[spmem:s12], [sflag:s8] =	dma.local [hbm:s7], $0x1870  }
0x11: {  	[tilespmem:s2], [sflag:$0x4] =	stream.linear.gather [hbm4b:s9+s2], $0x400, $0x38;
	[tilespmem:$0x149A0] =	vst v63  }
0x12: {  	_ =	swait.ge [sflag:s13], $0x400  }
0x13: {  	[sflag:s13] =	ssyncset.done $0x0  }
0x14: {  	s0 =	simm.s32 $0x8400;
	[sflag:s13] =	ssyncadd.s32 $0xFFFFFC00  }
0x15: {  	[tilespmem:s0], [sflag:$0x4] =	stream.linear.gather [hbm4b:s6+s2], $0x20, $0x38;
	[tilespmem:$0x149A0] =	vst v63  }
0x16: {  	_ =	swait.ge [sflag:s13], $0x20  }
0x17: {  	s21 =	sand.u32 $0x300, s2;
	s22 =	sand.u32 $0x70, s2;
	[sflag:s13] =	ssyncset.done $0x0  }
0x18: {  	s22 =	sor.u32 s22, s21;
	[sflag:s13] =	ssyncadd.s32 $0xFFFFFFE0  }
0x19: {  	v0 =	vld [tilespmem:s22+$0x0];
	_ =	sdelay $0x4  }
0x1a: {  	v1 =	vshll.u32 v0, $0x3  }
0x1b: {  	v0 =	vand.u32 $0x7F, v0;
	v1 =	vand.u32 $0xFFFFFC00, v1  }
0x1c: {  	s21 =	simm.s32 $0x0;
	v0 =	vor.u32 v0, v1  }
0x1d: {  	[tilespmem:s21+$0x400] =	vst v0;
	v1 =	vor.u32 $0x80, v0  }
0x1e: {  	v2 =	vadd.s32 $0xC3980, v0;
	[tilespmem:s21+$0x410] =	vst v1  }
0x1f: {  	v1 =	vor.u32 $0x100, v0;
	[tilespmem:s21+$0x4B0] =	vst v2  }
0x20: {  	v2 =	vor.u32 $0x180, v0;
	[tilespmem:s21+$0x420] =	vst v1  }
0x21: {  	v1 =	vadd.s32 $0xC3800, v0;
	[tilespmem:s21+$0x430] =	vst v2  }
0x22: {  	v2 =	vadd.s32 $0xC3900, v0;
	[tilespmem:s21+$0x480] =	vst v1  }
0x23: {  	v1 =	vadd.s32 $0xC3B00, v0;
	[tilespmem:s21+$0x4A0] =	vst v2  }
0x24: {  	v2 =	vor.u32 $0x200, v0;
	[tilespmem:s21+$0x4E0] =	vst v1  }
0x25: {  	v1 =	vadd.s32 $0xC3880, v0;
	[tilespmem:s21+$0x440] =	vst v2  }
0x26: {  	v2 =	vadd.s32 $0xC3A80, v0;
	[tilespmem:s21+$0x490] =	vst v1  }
0x27: {  	v1 =	vadd.s32 $0xC3A00, v0;
	[tilespmem:s21+$0x4D0] =	vst v2  }
0x28: {  	v2 =	vadd.s32 $0xC3B80, v0;
	[tilespmem:s21+$0x4C0] =	vst v1  }
0x29: {  	v1 =	vor.u32 $0x380, v0;
	[tilespmem:s21+$0x4F0] =	vst v2  }
0x2a: {  	v2 =	vor.u32 $0x300, v0;
	[tilespmem:s21+$0x470] =	vst v1  }
0x2b: {  	v0 =	vor.u32 $0x280, v0;
	[tilespmem:s21+$0x460] =	vst v2  }
0x2c: {  	s23 =	simm.s32 $0x400;
	s24 =	simm.s32 $0x4400;
	[tilespmem:s21+$0x450] =	vst v0  }
0x2d: {  	[tilespmem:s24], [sflag:$0x1] =	stream.indirect.gather [hbm4b:s4+s15], $0x1, s23, s15, $0xb8;
	[tilespmem:$0x149A0] =	vst v63  }
0x2e: {  	s30 =	simm.s32 $0x480;
	s31 =	simm.s32 $0x4480  }
0x2f: {  	[tilespmem:s31], [sflag:$0x1] =	stream.indirect.gather [hbm4b:s4+s15], $0x1, s30, s15, $0xb8;
	[tilespmem:$0x149A0] =	vst v63  }
0x30: {  	v0 =	vld [tilespmem:s22+$0x80];
	_ =	sdelay $0x4  }
0x31: {  	v1 =	vshll.u32 v0, $0x3  }
0x32: {  	v0 =	vand.u32 $0x7F, v0;
	v1 =	vand.u32 $0xFFFFFC00, v1  }
0x33: {  	v8 =	vor.u32 v0, v1  }
0x34: {  	[tilespmem:s21+$0x2400] =	vst v8;
	v0 =	vor.u32 $0x80, v8;
	v7 =	vor.u32 $0x100, v8;
	v1 =	vor.u32 $0x180, v8  }
0x35: {  	v4 =	vor.u32 $0x200, v8;
	v6 =	vor.u32 $0x280, v8;
	v2 =	vor.u32 $0x300, v8;
	[tilespmem:s21+$0x2410] =	vst v0  }
0x36: {  	s26 =	simm.s32 $0x10;
	v3 =	vor.u32 $0x380, v8;
	v5 =	vadd.s32 $0xC3800, v8;
	v10 =	vadd.s32 $0xC3A00, v8;
	[tilespmem:s21+$0x2430] =	vst v1  }
0x37: {  	s28 =	simm.s32 $0x800;
	s25 =	sand.u32 $0x70, s26;
	s24 =	simm.s32 $0x20;
	v9 =	vadd.s32 $0xC3B00, v8;
	v0 =	vadd.s32 $0xC3880, v8;
	[tilespmem:s21+$0x2450] =	vst v6;
	v1 =	vadd.s32 $0xC3900, v8  }
0x38: {  	s23 =	sand.u32 $0x300, s24;
	s22 =	simm.s32 $0x400;
	v6 =	vadd.s32 $0xC3980, v8;
	[tilespmem:s21+$0x2420] =	vst v7;
	v7 =	vadd.s32 $0xC3A80, v8;
	v8 =	vadd.s32 $0xC3B80, v8  }
.LBB2_2:
0x39: {  	p0 =	sne.s32 s28, $0x7C00  }
0x3a: {  	s26 =	sadd.s32 $0x10, s26;
	s24 =	sadd.s32 $0x20, s24;
	[tilespmem:s21+$0x2440] =	vst v4;
	s30 =	smov.u32 s28  }
0x3b: {  	s28 =	sadd.s32 $0x400, s28;
	s31 =	sand.u32 $0x300, s24;
	s0 =	sand.u32 $0x70, s26;
	[tilespmem:s21+$0x24C0] =	vst v10  }
0x3c: {  	[tilespmem:s21+$0x2480] =	vst v5  }
0x3d: {  	[tilespmem:s21+$0x2470] =	vst v3  }
0x3e: {  	[tilespmem:s21+$0x2460] =	vst v2  }
0x3f: {  	[tilespmem:s21+$0x24E0] =	vst v9  }
0x40: {  	[tilespmem:s21+$0x24B0] =	vst v6  }
0x41: {  	[tilespmem:s21+$0x24F0] =	vst v8  }
0x42: {  	[tilespmem:s21+$0x24D0] =	vst v7  }
0x43: {  	s3 =	sadd.s32 $0x2480, s21;
	s14 =	sadd.s32 $0x6480, s21;
	[tilespmem:s21+$0x2490] =	vst v0  }
0x44: {  	s29 =	sor.u32 s25, s23;
	s23 =	smov.u32 s31;
	s25 =	smov.u32 s0;
	[tilespmem:s21+$0x24A0] =	vst v1  }
0x45: {  	[tilespmem:s14], [sflag:$0x2] =	stream.indirect.gather [hbm4b:s5+s15], $0x1, s3, s15, $0xb8;
	[tilespmem:$0x149A0] =	vst v63  }
0x46: {  	v0 =	vld [tilespmem:s29+$0x0];
	_ =	sdelay $0x4  }
0x47: {  	v1 =	vshll.u32 v0, $0x3  }
0x48: {  	v0 =	vand.u32 $0x7F, v0;
	v1 =	vand.u32 $0xFFFFFC00, v1  }
0x49: {  	s21 =	sshra.s32 s22, $0x2;
	s22 =	smov.u32 s30;
	v0 =	vor.u32 v0, v1  }
0x4a: {  	[tilespmem:s21+$0x400] =	vst v0;
	v1 =	vor.u32 $0x80, v0;
	v2 =	vor.u32 $0x100, v0;
	v3 =	vadd.s32 $0xC3980, v0  }
0x4b: {  	v4 =	vor.u32 $0x200, v0;
	v5 =	vadd.s32 $0xC3880, v0;
	[tilespmem:s21+$0x410] =	vst v1;
	v1 =	vor.u32 $0x180, v0  }
0x4c: {  	v6 =	vor.u32 $0x280, v0;
	v7 =	vor.u32 $0x300, v0;
	v8 =	vadd.s32 $0xC3800, v0;
	[tilespmem:s21+$0x4B0] =	vst v3  }
0x4d: {  	v9 =	vadd.s32 $0xC3B80, v0;
	v3 =	vadd.s32 $0xC3900, v0;
	[tilespmem:s21+$0x420] =	vst v2;
	v2 =	vor.u32 $0x380, v0  }
0x4e: {  	v10 =	vadd.s32 $0xC3A80, v0;
	[tilespmem:s21+$0x430] =	vst v1;
	v1 =	vadd.s32 $0xC3A00, v0;
	v0 =	vadd.s32 $0xC3B00, v0  }
0x4f: {  	[tilespmem:s21+$0x480] =	vst v8  }
0x50: {  	[tilespmem:s21+$0x4A0] =	vst v3  }
0x51: {  	[tilespmem:s21+$0x4E0] =	vst v0  }
0x52: {  	[tilespmem:s21+$0x440] =	vst v4  }
0x53: {  	[tilespmem:s21+$0x490] =	vst v5  }
0x54: {  	[tilespmem:s21+$0x4D0] =	vst v10  }
0x55: {  	[tilespmem:s21+$0x4C0] =	vst v1  }
0x56: {  	[tilespmem:s21+$0x4F0] =	vst v9  }
0x57: {  	[tilespmem:s21+$0x470] =	vst v2  }
0x58: {  	[tilespmem:s21+$0x460] =	vst v7  }
0x59: {  	s0 =	sadd.s32 $0x400, s21;
	s3 =	sadd.s32 $0x4400, s21;
	[tilespmem:s21+$0x450] =	vst v6  }
0x5a: {  	[tilespmem:s3], [sflag:$0x1] =	stream.indirect.gather [hbm4b:s4+s15], $0x1, s0, s15, $0xb8;
	[tilespmem:$0x149A0] =	vst v63  }
0x5b: {  	s0 =	sadd.s32 $0x480, s21;
	s3 =	sadd.s32 $0x4480, s21  }
0x5c: {  	[tilespmem:s3], [sflag:$0x1] =	stream.indirect.gather [hbm4b:s4+s15], $0x1, s0, s15, $0xb8;
	[tilespmem:$0x149A0] =	vst v63  }
0x5d: {  	v0 =	vld [tilespmem:s29+$0x80];
	_ =	sdelay $0x4  }
0x5e: {  	v1 =	vshll.u32 v0, $0x3  }
0x5f: {  	v0 =	vand.u32 $0x7F, v0;
	v1 =	vand.u32 $0xFFFFFC00, v1  }
0x60: {  	v8 =	vor.u32 v0, v1  }
.Ltmp0:
0x61: {  	[tilespmem:s21+$0x2400] =	vst v8;
	v0 =	vor.u32 $0x80, v8;
	v7 =	vor.u32 $0x100, v8;
	v1 =	vor.u32 $0x180, v8;
	(pc) =	sbr.rel @p0 .LBB2_2-.Ltmp0, $4  }
0x62: {  	v4 =	vor.u32 $0x200, v8;
	v6 =	vor.u32 $0x280, v8;
	v2 =	vor.u32 $0x300, v8;
	[tilespmem:s21+$0x2410] =	vst v0  }
0x63: {  	v3 =	vor.u32 $0x380, v8;
	v5 =	vadd.s32 $0xC3800, v8;
	v0 =	vadd.s32 $0xC3880, v8;
	[tilespmem:s21+$0x2430] =	vst v1  }
0x64: {  	v10 =	vadd.s32 $0xC3A00, v8;
	v1 =	vadd.s32 $0xC3900, v8;
	[tilespmem:s21+$0x2450] =	vst v6;
	v6 =	vadd.s32 $0xC3980, v8  }
0x65: {  	v9 =	vadd.s32 $0xC3B00, v8;
	[tilespmem:s21+$0x2420] =	vst v7;
	v7 =	vadd.s32 $0xC3A80, v8;
	v8 =	vadd.s32 $0xC3B80, v8  }
0x66: {  	[tilespmem:s21+$0x2440] =	vst v4  }
0x67: {  	[tilespmem:s21+$0x24C0] =	vst v10  }
0x68: {  	[tilespmem:s21+$0x2480] =	vst v5  }
0x69: {  	[tilespmem:s21+$0x2470] =	vst v3  }
0x6a: {  	[tilespmem:s21+$0x2460] =	vst v2  }
0x6b: {  	[tilespmem:s21+$0x24E0] =	vst v9  }
0x6c: {  	[tilespmem:s21+$0x24B0] =	vst v6  }
0x6d: {  	[tilespmem:s21+$0x24F0] =	vst v8  }
0x6e: {  	[tilespmem:s21+$0x24D0] =	vst v7  }
0x6f: {  	[tilespmem:s21+$0x2490] =	vst v0  }
0x70: {  	s0 =	sadd.s32 $0x2480, s21;
	s3 =	sadd.s32 $0x6480, s21;
	s14 =	sor.u32 s25, s23;
	[tilespmem:s21+$0x24A0] =	vst v1  }
0x71: {  	[tilespmem:s3], [sflag:$0x2] =	stream.indirect.gather [hbm4b:s5+s15], $0x1, s0, s15, $0xb8;
	[tilespmem:$0x149A0] =	vst v63  }
0x72: {  	v0 =	vld [tilespmem:s14+$0x0];
	_ =	sdelay $0x4  }
0x73: {  	v36 =	vshll.u32 v0, $0x3  }
0x74: {  	v0 =	vand.u32 $0x7F, v0;
	v1 =	vand.u32 $0xFFFFFC00, v36  }
0x75: {  	s24 =	sshra.s32 s22, $0x2;
	v0 =	vor.u32 v0, v1  }
0x76: {  	[tilespmem:s24+$0x400] =	vst v0;
	v1 =	vor.u32 $0x80, v0  }
0x77: {  	v37 =	vadd.s32 $0xC3980, v0;
	[tilespmem:s24+$0x410] =	vst v1  }
0x78: {  	v38 =	vor.u32 $0x100, v0;
	[tilespmem:s24+$0x4B0] =	vst v37  }
0x79: {  	v39 =	vor.u32 $0x180, v0;
	[tilespmem:s24+$0x420] =	vst v38  }
0x7a: {  	v40 =	vadd.s32 $0xC3800, v0;
	[tilespmem:s24+$0x430] =	vst v39  }
0x7b: {  	v41 =	vadd.s32 $0xC3900, v0;
	[tilespmem:s24+$0x480] =	vst v40  }
0x7c: {  	v42 =	vadd.s32 $0xC3B00, v0;
	[tilespmem:s24+$0x4A0] =	vst v41  }
0x7d: {  	v43 =	vor.u32 $0x200, v0;
	[tilespmem:s24+$0x4E0] =	vst v42  }
0x7e: {  	v44 =	vadd.s32 $0xC3880, v0;
	[tilespmem:s24+$0x440] =	vst v43  }
0x7f: {  	v45 =	vadd.s32 $0xC3A80, v0;
	[tilespmem:s24+$0x490] =	vst v44  }
0x80: {  	v46 =	vadd.s32 $0xC3A00, v0;
	[tilespmem:s24+$0x4D0] =	vst v45  }
0x81: {  	v47 =	vadd.s32 $0xC3B80, v0;
	[tilespmem:s24+$0x4C0] =	vst v46  }
0x82: {  	v48 =	vor.u32 $0x380, v0;
	[tilespmem:s24+$0x4F0] =	vst v47  }
0x83: {  	v49 =	vor.u32 $0x300, v0;
	[tilespmem:s24+$0x470] =	vst v48  }
0x84: {  	v0 =	vor.u32 $0x280, v0;
	[tilespmem:s24+$0x460] =	vst v49  }
0x85: {  	s25 =	sadd.s32 $0x400, s24;
	s26 =	sadd.s32 $0x4400, s24;
	[tilespmem:s24+$0x450] =	vst v0  }
0x86: {  	[tilespmem:s26], [sflag:$0x1] =	stream.indirect.gather [hbm4b:s4+s15], $0x1, s25, s15, $0xb8;
	[tilespmem:$0x149A0] =	vst v63  }
0x87: {  	s28 =	sadd.s32 $0x480, s24;
	s29 =	sadd.s32 $0x4480, s24  }
0x88: {  	[tilespmem:s29], [sflag:$0x1] =	stream.indirect.gather [hbm4b:s4+s15], $0x1, s28, s15, $0xb8;
	[tilespmem:$0x149A0] =	vst v63  }
0x89: {  	v0 =	vld [tilespmem:s14+$0x80];
	_ =	sdelay $0x4  }
0x8a: {  	v50 =	vshll.u32 v0, $0x3  }
0x8b: {  	v0 =	vand.u32 $0x7F, v0;
	v1 =	vand.u32 $0xFFFFFC00, v50  }
0x8c: {  	v0 =	vor.u32 v0, v1  }
0x8d: {  	[tilespmem:s24+$0x2400] =	vst v0;
	v1 =	vor.u32 $0x80, v0  }
0x8e: {  	v51 =	vor.u32 $0x180, v0;
	[tilespmem:s24+$0x2410] =	vst v1  }
0x8f: {  	v52 =	vor.u32 $0x280, v0;
	[tilespmem:s24+$0x2430] =	vst v51  }
0x90: {  	v53 =	vor.u32 $0x100, v0;
	[tilespmem:s24+$0x2450] =	vst v52  }
0x91: {  	v54 =	vor.u32 $0x200, v0;
	[tilespmem:s24+$0x2420] =	vst v53  }
0x92: {  	v55 =	vadd.s32 $0xC3A00, v0;
	[tilespmem:s24+$0x2440] =	vst v54  }
0x93: {  	v56 =	vadd.s32 $0xC3800, v0;
	[tilespmem:s24+$0x24C0] =	vst v55  }
0x94: {  	v57 =	vor.u32 $0x380, v0;
	[tilespmem:s24+$0x2480] =	vst v56  }
0x95: {  	v58 =	vor.u32 $0x300, v0;
	[tilespmem:s24+$0x2470] =	vst v57  }
0x96: {  	v59 =	vadd.s32 $0xC3B00, v0;
	[tilespmem:s24+$0x2460] =	vst v58  }
0x97: {  	v60 =	vadd.s32 $0xC3980, v0;
	[tilespmem:s24+$0x24E0] =	vst v59  }
0x98: {  	v61 =	vadd.s32 $0xC3B80, v0;
	[tilespmem:s24+$0x24B0] =	vst v60  }
0x99: {  	v62 =	vadd.s32 $0xC3A80, v0;
	[tilespmem:s24+$0x24F0] =	vst v61  }
0x9a: {  	v63 =	vadd.s32 $0xC3880, v0;
	[tilespmem:s24+$0x24D0] =	vst v62  }
0x9b: {  	v0 =	vadd.s32 $0xC3900, v0;
	[tilespmem:s24+$0x2490] =	vst v63  }
0x9c: {  	s30 =	sadd.s32 $0x2480, s24;
	s31 =	sadd.s32 $0x6480, s24;
	[tilespmem:s24+$0x24A0] =	vst v0  }
0x9d: {  	[tilespmem:s31], [sflag:$0x2] =	stream.indirect.gather [hbm4b:s5+s15], $0x1, s30, s15, $0xb8;
	[tilespmem:$0x149A0] =	vst v63  }
0x9e: {  	_ =	swait.ge [sflag:s16], $0x1870  }
0x9f: {  	[sflag:s16] =	ssyncset.done $0x0  }
0xa0: {  	s21 =	simm.s32 $0x400;
	[sflag:s16] =	ssyncadd.s32 $0xFFFFE790  }
0xa1: {  	s22 =	simm.s32 $0x6400;
	s23 =	simm.s32 $0x2400;
	[bflag:$0x0] =	sbarrier.arrive $0xFFFF  }
.LBB2_4:
0xa2: {  	[tilespmem:s22], [sflag:$0x3] =	stream.indirect.gather [spmem:s1], $0x1, s23, s15, $0xb8;
	[tilespmem:$0x149A0] =	vst v63  }
0xa3: {  	s0 =	smov.u32 s21;
	p0 =	sne.s32 s21, $0x7C00  }
.Ltmp1:
0xa4: {  	s21 =	sadd.s32 $0x400, s21;
	(pc) =	sbr.rel @p0 .LBB2_4-.Ltmp1, $3  }
0xa5: {  	_ =	sdelay $0x1  }
0xa6: {  	s0 =	sshra.s32 s0, $0x2  }
0xa7: {  	s22 =	sadd.s32 $0x6400, s0;
	s23 =	sadd.s32 $0x2400, s0  }
0xa8: {  	[tilespmem:s22], [sflag:$0x3] =	stream.indirect.gather [spmem:s1], $0x1, s23, s15, $0xb8;
	[tilespmem:$0x149A0] =	vst v63  }
0xa9: {  	v16 =	vld [tilespmem:$0x8400]  }
0xaa: {  	v0 =	vld.msk [tilespmem:$0x8410 ss:$0x0], $0xffff;
	_ =	swait.ge [sflag:s17], $0x2000  }
0xab: {  	[sflag:s17] =	ssyncset.done $0x0  }
0xac: {  	[sflag:s17] =	ssyncadd.s32 $0xFFFFE000  }
0xad: {  	_ =	swait.ge [sflag:s18], $0x1000  }
0xae: {  	[sflag:s18] =	ssyncset.done $0x0  }
0xaf: {  	[sflag:s18] =	ssyncadd.s32 $0xFFFFF000  }
0xb0: {  	_ =	swait.ge [sflag:s16], $0x1000  }
0xb1: {  	[sflag:s16] =	ssyncset.done $0x0  }
0xb2: {  	s21 =	simm.s32 $0x0;
	[sflag:s16] =	ssyncadd.s32 $0xFFFFF000  }
0xb3: {  	v1 =	vld [tilespmem:s21+$0x6400]  }
0xb4: {  	v2 =	vld [tilespmem:s21+$0x4400]  }
0xb5: {  	v3 =	vld [tilespmem:s21+$0x4410]  }
0xb6: {  	v5 =	vld [tilespmem:s21+$0x6410]  }
0xb7: {  	v6 =	vld [tilespmem:s21+$0x4420]  }
0xb8: {  	v7 =	vld [tilespmem:s21+$0x6420]  }
0xb9: {  	v8 =	vld [tilespmem:s21+$0x4430]  }
0xba: {  	v4 =	vbroadcast v16, $0x0;
	v9 =	vld [tilespmem:s21+$0x6430];
	v2 =	vmul.f32 v1, v2  }
0xbb: {  	v11 =	vld [tilespmem:s21+$0x4440];
	v1 =	vbroadcast v16, $0x1  }
0xbc: {  	v12 =	vld [tilespmem:s21+$0x6440];
	v3 =	vmul.f32 v5, v3;
	v10 =	vmul.f32 v2, v4  }
0xbd: {  	v13 =	vld [tilespmem:s21+$0x6450];
	v6 =	vmul.f32 v7, v6  }
0xbe: {  	v14 =	vld [tilespmem:s21+$0x6460];
	v2 =	vbroadcast v16, $0x2;
	v5 =	vadd.f32 v10, v0;
	v10 =	vmul.f32 v3, v1  }
0xbf: {  	v7 =	vld [tilespmem:s21+$0x4450];
	v8 =	vmul.f32 v9, v8  }
0xc0: {  	v9 =	vld [tilespmem:s21+$0x4460];
	v3 =	vbroadcast v16, $0x3;
	v6 =	vmul.f32 v6, v2;
	v10 =	vadd.f32 v10, v5  }
0xc1: {  	v15 =	vld [tilespmem:s21+$0x6470];
	v11 =	vmul.f32 v12, v11  }
0xc2: {  	v12 =	vld [tilespmem:s21+$0x4470];
	v5 =	vbroadcast v16, $0x4;
	v8 =	vmul.f32 v8, v3;
	v10 =	vadd.f32 v6, v10  }
0xc3: {  	v17 =	vld [tilespmem:s21+$0x6480];
	v6 =	vbroadcast v16, $0x5  }
0xc4: {  	v18 =	vld [tilespmem:s21+$0x6490];
	v8 =	vadd.f32 v8, v10;
	v10 =	vmul.f32 v11, v5;
	v11 =	vmul.f32 v13, v7  }
0xc5: {  	v9 =	vmul.f32 v14, v9;
	v13 =	vld [tilespmem:s21+$0x4480]  }
0xc6: {  	v14 =	vld [tilespmem:s21+$0x4490];
	v7 =	vbroadcast v16, $0x6;
	v10 =	vadd.f32 v10, v8;
	v11 =	vmul.f32 v11, v6  }
0xc7: {  	v19 =	vld [tilespmem:s21+$0x64A0];
	v12 =	vmul.f32 v15, v12  }
0xc8: {  	v15 =	vld [tilespmem:s21+$0x44A0];
	v8 =	vbroadcast v16, $0x7;
	v10 =	vadd.f32 v11, v10;
	v11 =	vmul.f32 v9, v7  }
0xc9: {  	v20 =	vld [tilespmem:s21+$0x64B0];
	v9 =	vbroadcast v16, $0x8  }
0xca: {  	v21 =	vld [tilespmem:s21+$0x64C0];
	v12 =	vmul.f32 v12, v8;
	v13 =	vmul.f32 v17, v13;
	v11 =	vadd.f32 v11, v10  }
0xcb: {  	v14 =	vmul.f32 v18, v14;
	v17 =	vld [tilespmem:s21+$0x44B0]  }
0xcc: {  	v18 =	vld [tilespmem:s21+$0x44C0];
	v10 =	vbroadcast v16, $0x9;
	v13 =	vmul.f32 v13, v9;
	v12 =	vadd.f32 v12, v11  }
0xcd: {  	v22 =	vld [tilespmem:s21+$0x64D0];
	v15 =	vmul.f32 v19, v15  }
0xce: {  	v19 =	vld [tilespmem:s21+$0x44D0];
	v11 =	vbroadcast v16, $0xA;
	v14 =	vmul.f32 v14, v10;
	v13 =	vadd.f32 v13, v12  }
0xcf: {  	v12 =	vbroadcast v16, $0xB  }
0xd0: {  	v62 =	vld [tilespmem:s21+$0x44E0];
	v15 =	vmul.f32 v15, v11;
	v17 =	vmul.f32 v20, v17;
	v14 =	vadd.f32 v14, v13  }
0xd1: {  	v23 =	vld [tilespmem:s21+$0x64E0];
	v18 =	vmul.f32 v21, v18  }
0xd2: {  	v63 =	vld [tilespmem:s21+$0x44F0];
	v13 =	vbroadcast v16, $0xC;
	v17 =	vmul.f32 v17, v12;
	v15 =	vadd.f32 v15, v14  }
0xd3: {  	v24 =	vld [tilespmem:s21+$0x64F0];
	v19 =	vmul.f32 v22, v19  }
0xd4: {  	v14 =	vbroadcast v16, $0xD;
	v18 =	vmul.f32 v18, v13;
	v17 =	vadd.f32 v17, v15  }
0xd5: {  	v15 =	vbroadcast v16, $0xE  }
0xd6: {  	v17 =	vadd.f32 v18, v17;
	v18 =	vmul.f32 v19, v14;
	v19 =	vmul.f32 v23, v62  }
0xd7: {  	v16 =	vbroadcast v16, $0xF  }
0xd8: {  	v17 =	vadd.f32 v18, v17;
	v18 =	vmul.f32 v19, v15;
	v19 =	vmul.f32 v24, v63;
	_ =	sdelay $0x1  }
0xd9: {  	v17 =	vadd.f32 v18, v17;
	v18 =	vmul.f32 v19, v16;
	_ =	sdelay $0x1  }
0xda: {  	v17 =	vadd.f32 v18, v17;
	_ =	sdelay $0x1  }
0xdb: {  	v17 =	vsub.f32 $0.0e+00, v17;
	_ =	sdelay $0x1  }
0xdc: {  	v17 =	vmul.f32 $1.442695020e+00, v17;
	_ =	sdelay $0x1  }
0xdd: {  	(erf) = vpow2.f32 v17;
	_ =	sdelay $0x8  }
0xde: {  	v17 =	vpop (erf)  }
0xdf: {  	v17 =	vadd.f32 $1.000000000e+00, v17;
	_ =	sdelay $0x1  }
0xe0: {  	(erf) = vrcp.f32 v17;
	_ =	sdelay $0x8  }
0xe1: {  	s21 =	simm.s32 $0x8420;
	v17 =	vpop (erf)  }
0xe2: {  	s22 =	simm.s32 $0x100;
	[tilespmem:s21+$0x0] =	vst v17  }
0xe3: {  	s23 =	simm.s32 $0x800;
	v17 =	vld [tilespmem:s22+$0x6400]  }
.LBB2_6:
0xe4: {  	p0 =	sne.s32 s23, $0x7C00;
	v18 =	vld [tilespmem:s22+$0x4400]  }
0xe5: {  	v19 =	vld [tilespmem:s22+$0x4410]  }
0xe6: {  	v20 =	vld [tilespmem:s22+$0x6410]  }
0xe7: {  	v21 =	vld [tilespmem:s22+$0x4420]  }
0xe8: {  	v22 =	vld [tilespmem:s22+$0x6420]  }
0xe9: {  	v17 =	vmul.f32 v17, v18;
	v18 =	vld [tilespmem:s22+$0x4430]  }
0xea: {  	v23 =	vld [tilespmem:s22+$0x6430]  }
0xeb: {  	v17 =	vmul.f32 v17, v4;
	v19 =	vmul.f32 v20, v19;
	v20 =	vld [tilespmem:s22+$0x4440]  }
0xec: {  	v24 =	vld [tilespmem:s22+$0x6440]  }
0xed: {  	v17 =	vadd.f32 v17, v0;
	v19 =	vmul.f32 v19, v1;
	v21 =	vmul.f32 v22, v21;
	v22 =	vld [tilespmem:s22+$0x4450]  }
0xee: {  	v25 =	vld [tilespmem:s22+$0x6450]  }
0xef: {  	v17 =	vadd.f32 v19, v17;
	v19 =	vmul.f32 v21, v2;
	v18 =	vmul.f32 v23, v18;
	v21 =	vld [tilespmem:s22+$0x4460]  }
0xf0: {  	v23 =	vld [tilespmem:s22+$0x6460]  }
0xf1: {  	v17 =	vadd.f32 v19, v17;
	v18 =	vmul.f32 v18, v3;
	v19 =	vmul.f32 v24, v20;
	v20 =	vld [tilespmem:s22+$0x4470]  }
0xf2: {  	v24 =	vld [tilespmem:s22+$0x6470]  }
0xf3: {  	v17 =	vadd.f32 v18, v17;
	v18 =	vmul.f32 v19, v5;
	v19 =	vmul.f32 v25, v22;
	v22 =	vld [tilespmem:s22+$0x4480]  }
0xf4: {  	v25 =	vld [tilespmem:s22+$0x6480]  }
0xf5: {  	v17 =	vadd.f32 v18, v17;
	v18 =	vmul.f32 v19, v6;
	v19 =	vmul.f32 v23, v21;
	v21 =	vld [tilespmem:s22+$0x4490]  }
0xf6: {  	v23 =	vld [tilespmem:s22+$0x6490]  }
0xf7: {  	v17 =	vadd.f32 v18, v17;
	v18 =	vmul.f32 v19, v7;
	v19 =	vmul.f32 v24, v20;
	v20 =	vld [tilespmem:s22+$0x44A0]  }
0xf8: {  	v24 =	vld [tilespmem:s22+$0x64A0]  }
0xf9: {  	v17 =	vadd.f32 v18, v17;
	v18 =	vmul.f32 v19, v8;
	v19 =	vmul.f32 v25, v22;
	v22 =	vld [tilespmem:s22+$0x44B0]  }
0xfa: {  	v25 =	vld [tilespmem:s22+$0x64B0]  }
0xfb: {  	v17 =	vadd.f32 v18, v17;
	v18 =	vmul.f32 v19, v9;
	v19 =	vmul.f32 v23, v21;
	v21 =	vld [tilespmem:s22+$0x44C0]  }
0xfc: {  	v23 =	vld [tilespmem:s22+$0x64C0]  }
0xfd: {  	v17 =	vadd.f32 v18, v17;
	v18 =	vmul.f32 v19, v10;
	v19 =	vmul.f32 v24, v20;
	v20 =	vld [tilespmem:s22+$0x44D0]  }
0xfe: {  	v24 =	vld [tilespmem:s22+$0x64D0]  }
0xff: {  	v17 =	vadd.f32 v18, v17;
	v18 =	vmul.f32 v19, v11;
	v19 =	vmul.f32 v25, v22;
	v22 =	vld [tilespmem:s22+$0x44E0]  }
0x100: {  	v25 =	vld [tilespmem:s22+$0x64E0]  }
0x101: {  	v17 =	vadd.f32 v18, v17;
	v18 =	vmul.f32 v19, v12;
	v19 =	vmul.f32 v23, v21;
	v21 =	vld [tilespmem:s22+$0x44F0]  }
0x102: {  	v23 =	vld [tilespmem:s22+$0x64F0]  }
0x103: {  	v17 =	vadd.f32 v18, v17;
	v18 =	vmul.f32 v19, v13;
	v19 =	vmul.f32 v24, v20;
	_ =	sdelay $0x1  }
0x104: {  	v17 =	vadd.f32 v18, v17;
	v18 =	vmul.f32 v19, v14;
	v19 =	vmul.f32 v25, v22;
	_ =	sdelay $0x1  }
0x105: {  	v17 =	vadd.f32 v18, v17;
	v18 =	vmul.f32 v19, v15;
	v19 =	vmul.f32 v23, v21;
	_ =	sdelay $0x1  }
0x106: {  	v17 =	vadd.f32 v18, v17;
	v18 =	vmul.f32 v19, v16;
	_ =	sdelay $0x1  }
0x107: {  	v17 =	vadd.f32 v18, v17;
	_ =	sdelay $0x1  }
0x108: {  	v17 =	vsub.f32 $0.0e+00, v17;
	_ =	sdelay $0x1  }
0x109: {  	v17 =	vmul.f32 $1.442695020e+00, v17;
	_ =	sdelay $0x1  }
0x10a: {  	(erf) = vpow2.f32 v17;
	_ =	sdelay $0x8  }
0x10b: {  	v17 =	vpop (erf)  }
0x10c: {  	v17 =	vadd.f32 $1.000000000e+00, v17;
	_ =	sdelay $0x1  }
0x10d: {  	(erf) = vrcp.f32 v17;
	_ =	sdelay $0x6  }
.Ltmp2:
0x10e: {  	(pc) =	sbr.rel @p0 .LBB2_6-.Ltmp2, $4  }
0x10f: {  	_ = 	snop  }
0x110: {  	s21 =	sadd.s32 $0x10, s21;
	v17 =	vpop (erf)  }
0x111: {  	s22 =	sshra.s32 s23, $0x2;
	[tilespmem:s21+$0x0] =	vst v17  }
0x112: {  	s23 =	sadd.s32 $0x400, s23;
	v17 =	vld [tilespmem:s22+$0x6400]  }
0x113: {  	v18 =	vld [tilespmem:s22+$0x4400]  }
0x114: {  	v19 =	vld [tilespmem:s22+$0x4410]  }
0x115: {  	v20 =	vld [tilespmem:s22+$0x6410]  }
0x116: {  	v21 =	vld [tilespmem:s22+$0x4420]  }
0x117: {  	v22 =	vld [tilespmem:s22+$0x6420]  }
0x118: {  	v52 =	vld [tilespmem:s22+$0x4430];
	v17 =	vmul.f32 v17, v18  }
0x119: {  	v23 =	vld [tilespmem:s22+$0x6430]  }
0x11a: {  	v54 =	vld [tilespmem:s22+$0x4440];
	v53 =	vmul.f32 v20, v19;
	v4 =	vmul.f32 v17, v4  }
0x11b: {  	v55 =	vld [tilespmem:s22+$0x6440]  }
0x11c: {  	v57 =	vld [tilespmem:s22+$0x4450];
	v56 =	vmul.f32 v22, v21;
	v1 =	vmul.f32 v53, v1;
	v0 =	vadd.f32 v4, v0  }
0x11d: {  	v58 =	vld [tilespmem:s22+$0x6450]  }
0x11e: {  	v61 =	vld [tilespmem:s22+$0x4460];
	v60 =	vmul.f32 v23, v52;
	v59 =	vmul.f32 v56, v2;
	v0 =	vadd.f32 v1, v0  }
0x11f: {  	v62 =	vld [tilespmem:s22+$0x6460]  }
0x120: {  	v24 =	vld [tilespmem:s22+$0x6470];
	v22 =	vmul.f32 v55, v54;
	v63 =	vmul.f32 v60, v3;
	v0 =	vadd.f32 v59, v0  }
0x121: {  	v23 =	vld [tilespmem:s22+$0x4470]  }
0x122: {  	v27 =	vld [tilespmem:s22+$0x4480];
	v26 =	vmul.f32 v58, v57;
	v25 =	vmul.f32 v22, v5;
	v0 =	vadd.f32 v63, v0  }
0x123: {  	v28 =	vld [tilespmem:s22+$0x6480]  }
0x124: {  	v31 =	vld [tilespmem:s22+$0x4490];
	v30 =	vmul.f32 v62, v61;
	v29 =	vmul.f32 v26, v6;
	v0 =	vadd.f32 v25, v0  }
0x125: {  	v32 =	vld [tilespmem:s22+$0x6490]  }
0x126: {  	v35 =	vld [tilespmem:s22+$0x44A0];
	v33 =	vmul.f32 v30, v7;
	v34 =	vmul.f32 v24, v23;
	v0 =	vadd.f32 v29, v0  }
0x127: {  	v36 =	vld [tilespmem:s22+$0x64A0]  }
0x128: {  	v39 =	vld [tilespmem:s22+$0x44B0];
	v38 =	vmul.f32 v28, v27;
	v37 =	vmul.f32 v34, v8;
	v0 =	vadd.f32 v33, v0  }
0x129: {  	v40 =	vld [tilespmem:s22+$0x64B0]  }
0x12a: {  	v43 =	vld [tilespmem:s22+$0x44C0];
	v42 =	vmul.f32 v32, v31;
	v41 =	vmul.f32 v38, v9;
	v0 =	vadd.f32 v37, v0  }
0x12b: {  	v44 =	vld [tilespmem:s22+$0x64C0]  }
0x12c: {  	v47 =	vld [tilespmem:s22+$0x44D0];
	v46 =	vmul.f32 v36, v35;
	v45 =	vmul.f32 v42, v10;
	v0 =	vadd.f32 v41, v0  }
0x12d: {  	v48 =	vld [tilespmem:s22+$0x64D0]  }
0x12e: {  	v51 =	vld [tilespmem:s22+$0x44E0];
	v50 =	vmul.f32 v40, v39;
	v49 =	vmul.f32 v46, v11;
	v0 =	vadd.f32 v45, v0  }
0x12f: {  	v52 =	vld [tilespmem:s22+$0x64E0]  }
0x130: {  	v54 =	vmul.f32 v44, v43;
	v55 =	vld [tilespmem:s22+$0x44F0];
	v53 =	vmul.f32 v50, v12;
	v0 =	vadd.f32 v49, v0  }
0x131: {  	v56 =	vld [tilespmem:s22+$0x64F0]  }
0x132: {  	v58 =	vmul.f32 v48, v47;
	v57 =	vmul.f32 v54, v13;
	v0 =	vadd.f32 v53, v0;
	_ =	sdelay $0x1  }
0x133: {  	v60 =	vmul.f32 v52, v51;
	v59 =	vmul.f32 v58, v14;
	v0 =	vadd.f32 v57, v0;
	_ =	sdelay $0x1  }
0x134: {  	v61 =	vmul.f32 v60, v15;
	v62 =	vmul.f32 v56, v55;
	v0 =	vadd.f32 v59, v0;
	_ =	sdelay $0x1  }
0x135: {  	v63 =	vmul.f32 v62, v16;
	v0 =	vadd.f32 v61, v0;
	_ =	sdelay $0x1  }
0x136: {  	v0 =	vadd.f32 v63, v0;
	_ =	sdelay $0x1  }
0x137: {  	v0 =	vsub.f32 $0.0e+00, v0;
	_ =	sdelay $0x1  }
0x138: {  	v0 =	vmul.f32 $1.442695020e+00, v0;
	_ =	sdelay $0x1  }
0x139: {  	(erf) = vpow2.f32 v0;
	_ =	sdelay $0x8  }
0x13a: {  	v0 =	vpop (erf)  }
0x13b: {  	v0 =	vadd.f32 $1.000000000e+00, v0;
	_ =	sdelay $0x1  }
0x13c: {  	(erf) = vrcp.f32 v0;
	_ =	sdelay $0x7  }
0x13d: {  	s20 =	sadd.s32 $0x1, s20  }
0x13e: {  	s0 =	sadd.s32 $0x10, s21;
	p0 =	sne.s32 s20, s11;
	v0 =	vpop (erf)  }
.Ltmp3:
0x13f: {  	[tilespmem:s0+$0x0] =	vst v0;
	(pc) =	sbr.rel @p0 .LBB2_1-.Ltmp3, $4  }
0x140: {  	[hbm4b:s10+s2] =	stream.linear.scatter [tilespmem:s19], [sflag:$0x4], $0x200, $0x38;
	[tilespmem:$0x149A0] =	vst v63  }
0x141: {  	_ =	swait.ge [sflag:s13], $0x200  }
0x142: {  	[sflag:s13] =	ssyncset.done $0x0  }
0x143: {  	[sflag:s13] =	ssyncadd.s32 $0xFFFFFE00  }
0x144: {  	_ =	sfence.sel $0x180000  }
0x145: {  	[bflag:$0x0] =	sbarrier.arrive $0xFFFF  }
0x146: {  	_ =	strace $0x90000047  }
0x147: {  	s0 =	stileid.u32;
	[bflag:$0x2] =	sbarrier.arrive $0xFFFF  }
0x148: {  	p0 =	sne.s32 s0, $0x0;
	s0 =	rddreg [dreg:$0x4]  }
0x149: {  	s0 =	sadd.s32 @!p0 $0x100000, s0  }
0x14a: {  	[sflag:s0] =	ssyncadd.tile.s32 @!p0 $0x1;
	_ =	shalt  }
.Lfunc_end2:
_tile_overlayer_lowered:
.L_overlay_start_2:
0x14b: {  	(tag) =	ssettag $0x2  }
0x14c: {  	s0 =	rddreg [dreg:$0x0];
	s2 =	stileid.u32  }
0x14d: {  	s1 =	rddreg [dreg:$0x1];
	p0 =	sne.s32 s2, $0x0  }
0x14e: {  	s3 =	rddreg [dreg:$0x2];
	[bflag:$0x3] =	sbarrier.arrive $0xFFFF;
	s2 =	simm.s32 @!p0 $0x1C04  }
0x14f: {  	[timem:s3], [sflag:s2] =	dma.local @!p0 [hbm:s0], s1  }
0x150: {  	s0 =	simm.s32 @!p0 $0x4  }
0x151: {  	_ =	swait.ge @!p0 [sflag:s0], s1  }
0x152: {  	s1 =	ssub.s32 @!p0 $0x0, s1;
	[sflag:s0] =	ssyncset.done @!p0 $0x0  }
0x153: {  	[sflag:s0] =	ssyncadd.s32 @!p0 s1  }
0x154: {  	[bflag:$0x3] =	sbarrier.arrive $0xFFFF  }
0x155: {  	_ =	shalt  }

</sc_bundles>
